<compile_context>
chip_gen: v7x
topology: tpu7x:2x2x1
jax: 0.10.2.dev20260603
libtpu: 0.0.44.dev20260713+nightly
codegen_flags: <defaults>
</compile_context>

<pallas_src>
import jax
import jax.numpy as jnp
from jax.experimental import pallas as pl
from jax.experimental.pallas import tpu as pltpu

B = 4096
F = 26
D = 32

BN_EPS = 1e-5

BB = 512
BLK1 = 256
BLK2 = 256


def _bn_relu(h, g, bt, ones_b):
    inv_b = 1.0 / B
    mu = jnp.dot(ones_b, h, preferred_element_type=jnp.float32) * inv_b
    m2 = jnp.dot(ones_b, h * h, preferred_element_type=jnp.float32) * inv_b
    var = m2 - mu * mu
    h = (h - mu) / jnp.sqrt(var + BN_EPS) * g + bt
    return jnp.maximum(h, 0.0)


def _tc_body(emb_ref, o1v_ref, W1_ref, b1_ref, g1_ref, bt1_ref,
             W2_ref, b2_ref, g2_ref, bt2_ref, W3_ref, b3_ref,
             W4_ref, b4_ref, out_ref, embbf_s, h1_s, h2_s):
    bf = jnp.bfloat16
    ones_b = jnp.ones((1, B), jnp.float32)
    rows = jax.lax.broadcasted_iota(jnp.int32, (F * D, D), 0)
    cols = jax.lax.broadcasted_iota(jnp.int32, (F * D, D), 1)
    S = jnp.where(rows % D == cols, 1.0, 0.0).astype(jnp.float32)
    ones_fd = jnp.ones((F * D, 1), jnp.float32)
    ones_d = jnp.ones((D, 1), jnp.float32)
    ones_f = jnp.ones((F, 1), jnp.float32)

    for i in range(B // BB):
        r = pl.ds(i * BB, BB)
        e = emb_ref[r, :]
        s = jnp.dot(e, S, preferred_element_type=jnp.float32)
        ssq = jnp.dot(e * e, ones_fd, preferred_element_type=jnp.float32)
        sqs = jnp.dot(s * s, ones_d, preferred_element_type=jnp.float32)
        o1 = jnp.dot(o1v_ref[r, :], ones_f, preferred_element_type=jnp.float32)
        out_ref[r, :] = o1 + 0.5 * (sqs - ssq)
        embbf_s[r, :] = e.astype(bf)

    for j in range(1024 // BLK1):
        cbl = pl.ds(j * BLK1, BLK1)
        h = jnp.dot(embbf_s[...], W1_ref[:, cbl],
                    preferred_element_type=jnp.float32) + b1_ref[:, cbl]
        h1_s[:, cbl] = _bn_relu(h, g1_ref[:, cbl], bt1_ref[:, cbl],
                                ones_b).astype(bf)

    for j in range(512 // BLK2):
        cbl = pl.ds(j * BLK2, BLK2)
        h = jnp.dot(h1_s[...], W2_ref[:, cbl],
                    preferred_element_type=jnp.float32) + b2_ref[:, cbl]
        h2_s[:, cbl] = _bn_relu(h, g2_ref[:, cbl], bt2_ref[:, cbl],
                                ones_b).astype(bf)

    h3 = jnp.dot(h2_s[...], W3_ref[...],
                 preferred_element_type=jnp.float32) + b3_ref[...]
    dnn = jnp.dot(h3.astype(bf), W4_ref[...],
                  preferred_element_type=jnp.float32) + b4_ref[...]
    out_ref[...] = out_ref[...] + dnn


def kernel(x, cat_embed, o1_table, W1, b1, g1, bt1, W2, b2, g2, bt2,
           W3, b3, W4, b4):
    bf = jnp.bfloat16
    emb2d = cat_embed.at[x].get(mode="promise_in_bounds").reshape(B, F * D)
    o1v = o1_table.at[x].get(mode="promise_in_bounds").reshape(B, F)
    out = pl.pallas_call(
        _tc_body,
        out_shape=jax.ShapeDtypeStruct((B, 1), jnp.float32),
        scratch_shapes=[
            pltpu.VMEM((B, F * D), bf),
            pltpu.VMEM((B, 1024), bf),
            pltpu.VMEM((B, 512), bf),
        ],
    )(emb2d, o1v, W1.astype(bf), b1.reshape(1, -1), g1.reshape(1, -1),
      bt1.reshape(1, -1), W2.astype(bf), b2.reshape(1, -1),
      g2.reshape(1, -1), bt2.reshape(1, -1), W3.astype(bf),
      b3.reshape(1, -1), W4.astype(bf), b4.reshape(1, -1))
    return out

# --- scband reference (transcript-rebuilt; emitter-appended) ---
"""Pipeline reference for scband-deep-fm-74878459838781 (READ-ONLY COPY).

The authoritative reference and input builder live on the scoring server;
editing this copy changes nothing except your own understanding.
"""

import jax, jax.numpy as jnp
import numpy as np

B = 4096
N_FIELDS = 26
TOTAL_DIM = 2600000
EMBED_DIM = 32
MLP_DIMS = [1024, 512, 256]
BN_EPS = 1e-5


def _bn(h, gamma, beta):
    # BatchNorm1d in training mode: batch statistics (biased variance)
    mu = jnp.mean(h, axis=0, keepdims=True)
    var = jnp.mean((h - mu) ** 2, axis=0, keepdims=True)
    return (h - mu) / jnp.sqrt(var + BN_EPS) * gamma + beta


def setup_inputs(seed: int = 0) -> dict:
    key = jax.random.key(seed)
    ks = jax.random.split(key, 20)
    d_in = N_FIELDS * EMBED_DIM  # 832
    inp = {}
    inp['x'] = jax.random.randint(ks[0], (B, N_FIELDS), 0, TOTAL_DIM, dtype=jnp.int64 if jax.config.jax_enable_x64 else jnp.int32)
    # embedding tables (nn.Embedding default init: N(0,1); scaled down for stability)
    inp['cat_embed'] = jax.random.normal(ks[1], (TOTAL_DIM, EMBED_DIM), dtype=jnp.float32) * 0.01
    inp['o1_table'] = jax.random.normal(ks[2], (TOTAL_DIM, 1), dtype=jnp.float32) * 0.01
    # MLP: Linear(832,1024), BN(1024), ReLU, Linear(1024,512), BN(512), ReLU, Linear(512,256), Linear(256,1)
    inp['W1'] = jax.random.normal(ks[3], (d_in, MLP_DIMS[0]), dtype=jnp.float32) * (1.0 / np.sqrt(d_in))
    inp['b1'] = jnp.zeros((MLP_DIMS[0],), dtype=jnp.float32)
    inp['g1'] = jnp.ones((MLP_DIMS[0],), dtype=jnp.float32)
    inp['bt1'] = jnp.zeros((MLP_DIMS[0],), dtype=jnp.float32)
    inp['W2'] = jax.random.normal(ks[4], (MLP_DIMS[0], MLP_DIMS[1]), dtype=jnp.float32) * (1.0 / np.sqrt(MLP_DIMS[0]))
    inp['b2'] = jnp.zeros((MLP_DIMS[1],), dtype=jnp.float32)
    inp['g2'] = jnp.ones((MLP_DIMS[1],), dtype=jnp.float32)
    inp['bt2'] = jnp.zeros((MLP_DIMS[1],), dtype=jnp.float32)
    inp['W3'] = jax.random.normal(ks[5], (MLP_DIMS[1], MLP_DIMS[2]), dtype=jnp.float32) * (1.0 / np.sqrt(MLP_DIMS[1]))
    inp['b3'] = jnp.zeros((MLP_DIMS[2],), dtype=jnp.float32)
    inp['W4'] = jax.random.normal(ks[6], (MLP_DIMS[2], 1), dtype=jnp.float32) * (1.0 / np.sqrt(MLP_DIMS[2]))
    inp['b4'] = jnp.zeros((1,), dtype=jnp.float32)
    return inp


def reference(x, cat_embed, o1_table, W1, b1, g1, bt1, W2, b2, g2, bt2, W3, b3, W4, b4):
    # Legacy (all-scalar) path of DeepFM.forward
    emb = jnp.take(cat_embed, x, axis=0)           # (B, n_fields, embed_dim)
    o1 = jnp.sum(jnp.take(o1_table, x, axis=0), axis=1)  # (B, 1)
    square_of_sums = jnp.sum(emb, axis=1) ** 2
    sum_of_squares = jnp.sum(emb ** 2, axis=1)
    o2 = 0.5 * jnp.sum(square_of_sums - sum_of_squares, axis=1, keepdims=True)
    h = emb.reshape(emb.shape[0], -1)
    h = h @ W1 + b1
    h = _bn(h, g1, bt1)
    h = jax.nn.relu(h)
    h = h @ W2 + b2
    h = _bn(h, g2, bt2)
    h = jax.nn.relu(h)
    h = h @ W3 + b3
    dnn_out = h @ W4 + b4
    return o1 + o2 + dnn_out

if __name__ == "__main__":
    import jax
    _d = setup_inputs()
    print(jax.jit(kernel)(*tuple(_d.values())))

</pallas_src>

<mosaic_0001>
module attributes {stable_mosaic.version = 14 : i64} {
  func.func @_tc_body(%arg0: memref<4096x832xf32, #tpu.memory_space<vmem>>, %arg1: memref<4096x26xf32, #tpu.memory_space<vmem>>, %arg2: memref<832x1024xbf16, #tpu.memory_space<vmem>>, %arg3: memref<1x1024xf32, #tpu.memory_space<vmem>>, %arg4: memref<1x1024xf32, #tpu.memory_space<vmem>>, %arg5: memref<1x1024xf32, #tpu.memory_space<vmem>>, %arg6: memref<1024x512xbf16, #tpu.memory_space<vmem>>, %arg7: memref<1x512xf32, #tpu.memory_space<vmem>>, %arg8: memref<1x512xf32, #tpu.memory_space<vmem>>, %arg9: memref<1x512xf32, #tpu.memory_space<vmem>>, %arg10: memref<512x256xbf16, #tpu.memory_space<vmem>>, %arg11: memref<1x256xf32, #tpu.memory_space<vmem>>, %arg12: memref<256x1xbf16, #tpu.memory_space<vmem>>, %arg13: memref<1x1xf32, #tpu.memory_space<vmem>>, %arg14: memref<4096x1xf32, #tpu.memory_space<vmem>>, %arg15: memref<4096x832xbf16, #tpu.memory_space<vmem>>, %arg16: memref<4096x1024xbf16, #tpu.memory_space<vmem>>, %arg17: memref<4096x512xbf16, #tpu.memory_space<vmem>>) attributes {dimension_semantics = [], scalar_prefetch = 0 : i64, scratch_operands = 3 : i64, tpu.core_type = #tpu.core_type<tc>} {
    %broadcast_in_dim3A = arith.constant 1.000000e+00 : f32
    %broadcast_in_dim3A_0 = vector.broadcast %broadcast_in_dim3A : f32 to vector<1x4096xf32>
    %iota3A = tpu.iota {dimensions = array<i32: 0>} : vector<832x32xi32>
    %iota3A_1 = tpu.iota {dimensions = array<i32: 1>} : vector<832x32xi32>
    %jit3A = arith.constant 32 : i32
    %eq3A = arith.constant 0 : i32
    %eq3A_2 = arith.cmpi eq, %jit3A, %eq3A : i32
    %jit3A_3 = arith.constant 1 : i32
    %select_n3A = arith.select %eq3A_2, %jit3A_3, %jit3A : i32
    %rem3A = vector.broadcast %select_n3A : i32 to vector<832x32xi32>
    %rem3A_4 = arith.remsi %iota3A, %rem3A : vector<832x32xi32>
    %ne3A = arith.constant 0 : i32
    %ne3A_5 = vector.broadcast %ne3A : i32 to vector<832x32xi32>
    %ne3A_6 = arith.cmpi ne, %rem3A_4, %ne3A_5 : vector<832x32xi32>
    %lt3A = arith.constant 0 : i32
    %lt3A_7 = vector.broadcast %lt3A : i32 to vector<832x32xi32>
    %lt3A_8 = arith.cmpi slt, %rem3A_4, %lt3A_7 : vector<832x32xi32>
    %lt3A_9 = arith.constant 0 : i32
    %lt3A_10 = arith.cmpi slt, %select_n3A, %lt3A_9 : i32
    %ne3A_11 = vector.broadcast %lt3A_10 : i1 to vector<832x32xi1>
    %ne3A_12 = vector.broadcast %ne3A_11 : vector<832x32xi1> to vector<832x32xi1>
    %ne3A_13 = arith.xori %lt3A_8, %ne3A_12 : vector<832x32xi1>
    %and3A = arith.andi %ne3A_13, %ne3A_6 : vector<832x32xi1>
    %add3A = vector.broadcast %select_n3A : i32 to vector<832x32xi32>
    %add3A_14 = arith.addi %rem3A_4, %add3A : vector<832x32xi32>
    %select_n3A_15 = arith.select %and3A, %add3A_14, %rem3A_4 : vector<832x32xi1>, vector<832x32xi32>
    %eq3A_16 = arith.cmpi eq, %select_n3A_15, %iota3A_1 : vector<832x32xi32>
    %jit3A_17 = arith.constant 1.000000e+00 : f32
    %jit3A_18 = arith.constant 0.000000e+00 : f32
    %broadcast_in_dim3A_19 = vector.broadcast %jit3A_17 : f32 to vector<832x32xf32>
    %broadcast_in_dim3A_20 = vector.broadcast %jit3A_18 : f32 to vector<832x32xf32>
    %select_n3A_21 = arith.select %eq3A_16, %broadcast_in_dim3A_19, %broadcast_in_dim3A_20 : vector<832x32xi1>, vector<832x32xf32>
    %broadcast_in_dim3A_22 = arith.constant 1.000000e+00 : f32
    %broadcast_in_dim3A_23 = vector.broadcast %broadcast_in_dim3A_22 : f32 to vector<832x1xf32>
    %broadcast_in_dim3A_24 = arith.constant 1.000000e+00 : f32
    %broadcast_in_dim3A_25 = vector.broadcast %broadcast_in_dim3A_24 : f32 to vector<32x1xf32>
    %broadcast_in_dim3A_26 = arith.constant 1.000000e+00 : f32
    %broadcast_in_dim3A_27 = vector.broadcast %broadcast_in_dim3A_26 : f32 to vector<26x1xf32>
    %get3A = arith.constant 0 : index
    %get3A_28 = arith.constant 0 : index
    %get3A_29 = vector.load %arg0[%get3A, %get3A_28] : memref<4096x832xf32, #tpu.memory_space<vmem>>, vector<512x832xf32>
    %dot_general3A = arith.constant dense<0.000000e+00> : vector<512x32xf32>
    %dot_general3A_30 = tpu.matmul %get3A_29, %select_n3A_21, %dot_general3A {dimension_numbers = #tpu.dot_dimension_numbers<[1], [0], [0], [1], [0, 0, 1, 1], [], []>, transpose_lhs_hint = false} : vector<512x832xf32>, vector<832x32xf32>, vector<512x32xf32> -> vector<512x32xf32>
    %mul3A = arith.mulf %get3A_29, %get3A_29 : vector<512x832xf32>
    %dot_general3A_31 = arith.constant dense<0.000000e+00> : vector<512x1xf32>
    %dot_general3A_32 = tpu.matmul %mul3A, %broadcast_in_dim3A_23, %dot_general3A_31 {dimension_numbers = #tpu.dot_dimension_numbers<[1], [0], [0], [1], [0, 0, 1, 1], [], []>, transpose_lhs_hint = false} : vector<512x832xf32>, vector<832x1xf32>, vector<512x1xf32> -> vector<512x1xf32>
    %mul3A_33 = arith.mulf %dot_general3A_30, %dot_general3A_30 : vector<512x32xf32>
    %dot_general3A_34 = arith.constant dense<0.000000e+00> : vector<512x1xf32>
    %dot_general3A_35 = tpu.matmul %mul3A_33, %broadcast_in_dim3A_25, %dot_general3A_34 {dimension_numbers = #tpu.dot_dimension_numbers<[1], [0], [0], [1], [0, 0, 1, 1], [], []>, transpose_lhs_hint = false} : vector<512x32xf32>, vector<32x1xf32>, vector<512x1xf32> -> vector<512x1xf32>
    %get3A_36 = arith.constant 0 : index
    %get3A_37 = arith.constant 0 : index
    %get3A_38 = vector.load %arg1[%get3A_36, %get3A_37] : memref<4096x26xf32, #tpu.memory_space<vmem>>, vector<512x26xf32>
    %dot_general3A_39 = arith.constant dense<0.000000e+00> : vector<512x1xf32>
    %dot_general3A_40 = tpu.matmul %get3A_38, %broadcast_in_dim3A_27, %dot_general3A_39 {dimension_numbers = #tpu.dot_dimension_numbers<[1], [0], [0], [1], [0, 0, 1, 1], [], []>, transpose_lhs_hint = false} : vector<512x26xf32>, vector<26x1xf32>, vector<512x1xf32> -> vector<512x1xf32>
    %sub3A = arith.subf %dot_general3A_35, %dot_general3A_32 : vector<512x1xf32>
    %mul3A_41 = arith.constant 5.000000e-01 : f32
    %mul3A_42 = vector.broadcast %mul3A_41 : f32 to vector<512x1xf32>
    %mul3A_43 = arith.mulf %mul3A_42, %sub3A : vector<512x1xf32>
    %add3A_44 = arith.addf %dot_general3A_40, %mul3A_43 : vector<512x1xf32>
    %swap3A = arith.constant 0 : index
    %swap3A_45 = arith.constant 0 : index
    %swap3A_46 = vector.load %arg14[%swap3A, %swap3A_45] : memref<4096x1xf32, #tpu.memory_space<vmem>>, vector<512x1xf32>
    tpu.vector_store %arg14[%swap3A, %swap3A_45], %add3A_44 {strides = array<i32>} : memref<4096x1xf32, #tpu.memory_space<vmem>>, vector<512x1xf32>,
    %convert_element_type3A = arith.truncf %get3A_29 : vector<512x832xf32> to vector<512x832xbf16>
    %swap3A_47 = arith.constant 0 : index
    %swap3A_48 = arith.constant 0 : index
    %swap3A_49 = vector.load %arg15[%swap3A_47, %swap3A_48] : memref<4096x832xbf16, #tpu.memory_space<vmem>>, vector<512x832xbf16>
    tpu.vector_store %arg15[%swap3A_47, %swap3A_48], %convert_element_type3A {strides = array<i32>} : memref<4096x832xbf16, #tpu.memory_space<vmem>>, vector<512x832xbf16>,
    %get3A_50 = arith.constant 512 : index
    %get3A_51 = arith.constant 0 : index
    %get3A_52 = vector.load %arg0[%get3A_50, %get3A_51] : memref<4096x832xf32, #tpu.memory_space<vmem>>, vector<512x832xf32>
    %dot_general3A_53 = arith.constant dense<0.000000e+00> : vector<512x32xf32>
    %dot_general3A_54 = tpu.matmul %get3A_52, %select_n3A_21, %dot_general3A_53 {dimension_numbers = #tpu.dot_dimension_numbers<[1], [0], [0], [1], [0, 0, 1, 1], [], []>, transpose_lhs_hint = false} : vector<512x832xf32>, vector<832x32xf32>, vector<512x32xf32> -> vector<512x32xf32>
    %mul3A_55 = arith.mulf %get3A_52, %get3A_52 : vector<512x832xf32>
    %dot_general3A_56 = arith.constant dense<0.000000e+00> : vector<512x1xf32>
    %dot_general3A_57 = tpu.matmul %mul3A_55, %broadcast_in_dim3A_23, %dot_general3A_56 {dimension_numbers = #tpu.dot_dimension_numbers<[1], [0], [0], [1], [0, 0, 1, 1], [], []>, transpose_lhs_hint = false} : vector<512x832xf32>, vector<832x1xf32>, vector<512x1xf32> -> vector<512x1xf32>
    %mul3A_58 = arith.mulf %dot_general3A_54, %dot_general3A_54 : vector<512x32xf32>
    %dot_general3A_59 = arith.constant dense<0.000000e+00> : vector<512x1xf32>
    %dot_general3A_60 = tpu.matmul %mul3A_58, %broadcast_in_dim3A_25, %dot_general3A_59 {dimension_numbers = #tpu.dot_dimension_numbers<[1], [0], [0], [1], [0, 0, 1, 1], [], []>, transpose_lhs_hint = false} : vector<512x32xf32>, vector<32x1xf32>, vector<512x1xf32> -> vector<512x1xf32>
    %get3A_61 = arith.constant 512 : index
    %get3A_62 = arith.constant 0 : index
    %get3A_63 = vector.load %arg1[%get3A_61, %get3A_62] : memref<4096x26xf32, #tpu.memory_space<vmem>>, vector<512x26xf32>
    %dot_general3A_64 = arith.constant dense<0.000000e+00> : vector<512x1xf32>
    %dot_general3A_65 = tpu.matmul %get3A_63, %broadcast_in_dim3A_27, %dot_general3A_64 {dimension_numbers = #tpu.dot_dimension_numbers<[1], [0], [0], [1], [0, 0, 1, 1], [], []>, transpose_lhs_hint = false} : vector<512x26xf32>, vector<26x1xf32>, vector<512x1xf32> -> vector<512x1xf32>
    %sub3A_66 = arith.subf %dot_general3A_60, %dot_general3A_57 : vector<512x1xf32>
    %mul3A_67 = arith.constant 5.000000e-01 : f32
    %mul3A_68 = vector.broadcast %mul3A_67 : f32 to vector<512x1xf32>
    %mul3A_69 = arith.mulf %mul3A_68, %sub3A_66 : vector<512x1xf32>
    %add3A_70 = arith.addf %dot_general3A_65, %mul3A_69 : vector<512x1xf32>
    %swap3A_71 = arith.constant 512 : index
    %swap3A_72 = arith.constant 0 : index
    %swap3A_73 = vector.load %arg14[%swap3A_71, %swap3A_72] : memref<4096x1xf32, #tpu.memory_space<vmem>>, vector<512x1xf32>
    tpu.vector_store %arg14[%swap3A_71, %swap3A_72], %add3A_70 {strides = array<i32>} : memref<4096x1xf32, #tpu.memory_space<vmem>>, vector<512x1xf32>,
    %convert_element_type3A_74 = arith.truncf %get3A_52 : vector<512x832xf32> to vector<512x832xbf16>
    %swap3A_75 = arith.constant 512 : index
    %swap3A_76 = arith.constant 0 : index
    %swap3A_77 = vector.load %arg15[%swap3A_75, %swap3A_76] : memref<4096x832xbf16, #tpu.memory_space<vmem>>, vector<512x832xbf16>
    tpu.vector_store %arg15[%swap3A_75, %swap3A_76], %convert_element_type3A_74 {strides = array<i32>} : memref<4096x832xbf16, #tpu.memory_space<vmem>>, vector<512x832xbf16>,
    %get3A_78 = arith.constant 1024 : index
    %get3A_79 = arith.constant 0 : index
    %get3A_80 = vector.load %arg0[%get3A_78, %get3A_79] : memref<4096x832xf32, #tpu.memory_space<vmem>>, vector<512x832xf32>
    %dot_general3A_81 = arith.constant dense<0.000000e+00> : vector<512x32xf32>
    %dot_general3A_82 = tpu.matmul %get3A_80, %select_n3A_21, %dot_general3A_81 {dimension_numbers = #tpu.dot_dimension_numbers<[1], [0], [0], [1], [0, 0, 1, 1], [], []>, transpose_lhs_hint = false} : vector<512x832xf32>, vector<832x32xf32>, vector<512x32xf32> -> vector<512x32xf32>
    %mul3A_83 = arith.mulf %get3A_80, %get3A_80 : vector<512x832xf32>
    %dot_general3A_84 = arith.constant dense<0.000000e+00> : vector<512x1xf32>
    %dot_general3A_85 = tpu.matmul %mul3A_83, %broadcast_in_dim3A_23, %dot_general3A_84 {dimension_numbers = #tpu.dot_dimension_numbers<[1], [0], [0], [1], [0, 0, 1, 1], [], []>, transpose_lhs_hint = false} : vector<512x832xf32>, vector<832x1xf32>, vector<512x1xf32> -> vector<512x1xf32>
    %mul3A_86 = arith.mulf %dot_general3A_82, %dot_general3A_82 : vector<512x32xf32>
    %dot_general3A_87 = arith.constant dense<0.000000e+00> : vector<512x1xf32>
    %dot_general3A_88 = tpu.matmul %mul3A_86, %broadcast_in_dim3A_25, %dot_general3A_87 {dimension_numbers = #tpu.dot_dimension_numbers<[1], [0], [0], [1], [0, 0, 1, 1], [], []>, transpose_lhs_hint = false} : vector<512x32xf32>, vector<32x1xf32>, vector<512x1xf32> -> vector<512x1xf32>
    %get3A_89 = arith.constant 1024 : index
    %get3A_90 = arith.constant 0 : index
    %get3A_91 = vector.load %arg1[%get3A_89, %get3A_90] : memref<4096x26xf32, #tpu.memory_space<vmem>>, vector<512x26xf32>
    %dot_general3A_92 = arith.constant dense<0.000000e+00> : vector<512x1xf32>
    %dot_general3A_93 = tpu.matmul %get3A_91, %broadcast_in_dim3A_27, %dot_general3A_92 {dimension_numbers = #tpu.dot_dimension_numbers<[1], [0], [0], [1], [0, 0, 1, 1], [], []>, transpose_lhs_hint = false} : vector<512x26xf32>, vector<26x1xf32>, vector<512x1xf32> -> vector<512x1xf32>
    %sub3A_94 = arith.subf %dot_general3A_88, %dot_general3A_85 : vector<512x1xf32>
    %mul3A_95 = arith.constant 5.000000e-01 : f32
    %mul3A_96 = vector.broadcast %mul3A_95 : f32 to vector<512x1xf32>
    %mul3A_97 = arith.mulf %mul3A_96, %sub3A_94 : vector<512x1xf32>
    %add3A_98 = arith.addf %dot_general3A_93, %mul3A_97 : vector<512x1xf32>
    %swap3A_99 = arith.constant 1024 : index
    %swap3A_100 = arith.constant 0 : index
    %swap3A_101 = vector.load %arg14[%swap3A_99, %swap3A_100] : memref<4096x1xf32, #tpu.memory_space<vmem>>, vector<512x1xf32>
    tpu.vector_store %arg14[%swap3A_99, %swap3A_100], %add3A_98 {strides = array<i32>} : memref<4096x1xf32, #tpu.memory_space<vmem>>, vector<512x1xf32>,
    %convert_element_type3A_102 = arith.truncf %get3A_80 : vector<512x832xf32> to vector<512x832xbf16>
    %swap3A_103 = arith.constant 1024 : index
    %swap3A_104 = arith.constant 0 : index
    %swap3A_105 = vector.load %arg15[%swap3A_103, %swap3A_104] : memref<4096x832xbf16, #tpu.memory_space<vmem>>, vector<512x832xbf16>
    tpu.vector_store %arg15[%swap3A_103, %swap3A_104], %convert_element_type3A_102 {strides = array<i32>} : memref<4096x832xbf16, #tpu.memory_space<vmem>>, vector<512x832xbf16>,
    %get3A_106 = arith.constant 1536 : index
    %get3A_107 = arith.constant 0 : index
    %get3A_108 = vector.load %arg0[%get3A_106, %get3A_107] : memref<4096x832xf32, #tpu.memory_space<vmem>>, vector<512x832xf32>
    %dot_general3A_109 = arith.constant dense<0.000000e+00> : vector<512x32xf32>
    %dot_general3A_110 = tpu.matmul %get3A_108, %select_n3A_21, %dot_general3A_109 {dimension_numbers = #tpu.dot_dimension_numbers<[1], [0], [0], [1], [0, 0, 1, 1], [], []>, transpose_lhs_hint = false} : vector<512x832xf32>, vector<832x32xf32>, vector<512x32xf32> -> vector<512x32xf32>
    %mul3A_111 = arith.mulf %get3A_108, %get3A_108 : vector<512x832xf32>
    %dot_general3A_112 = arith.constant dense<0.000000e+00> : vector<512x1xf32>
    %dot_general3A_113 = tpu.matmul %mul3A_111, %broadcast_in_dim3A_23, %dot_general3A_112 {dimension_numbers = #tpu.dot_dimension_numbers<[1], [0], [0], [1], [0, 0, 1, 1], [], []>, transpose_lhs_hint = false} : vector<512x832xf32>, vector<832x1xf32>, vector<512x1xf32> -> vector<512x1xf32>
    %mul3A_114 = arith.mulf %dot_general3A_110, %dot_general3A_110 : vector<512x32xf32>
    %dot_general3A_115 = arith.constant dense<0.000000e+00> : vector<512x1xf32>
    %dot_general3A_116 = tpu.matmul %mul3A_114, %broadcast_in_dim3A_25, %dot_general3A_115 {dimension_numbers = #tpu.dot_dimension_numbers<[1], [0], [0], [1], [0, 0, 1, 1], [], []>, transpose_lhs_hint = false} : vector<512x32xf32>, vector<32x1xf32>, vector<512x1xf32> -> vector<512x1xf32>
    %get3A_117 = arith.constant 1536 : index
    %get3A_118 = arith.constant 0 : index
    %get3A_119 = vector.load %arg1[%get3A_117, %get3A_118] : memref<4096x26xf32, #tpu.memory_space<vmem>>, vector<512x26xf32>
    %dot_general3A_120 = arith.constant dense<0.000000e+00> : vector<512x1xf32>
    %dot_general3A_121 = tpu.matmul %get3A_119, %broadcast_in_dim3A_27, %dot_general3A_120 {dimension_numbers = #tpu.dot_dimension_numbers<[1], [0], [0], [1], [0, 0, 1, 1], [], []>, transpose_lhs_hint = false} : vector<512x26xf32>, vector<26x1xf32>, vector<512x1xf32> -> vector<512x1xf32>
    %sub3A_122 = arith.subf %dot_general3A_116, %dot_general3A_113 : vector<512x1xf32>
    %mul3A_123 = arith.constant 5.000000e-01 : f32
    %mul3A_124 = vector.broadcast %mul3A_123 : f32 to vector<512x1xf32>
    %mul3A_125 = arith.mulf %mul3A_124, %sub3A_122 : vector<512x1xf32>
    %add3A_126 = arith.addf %dot_general3A_121, %mul3A_125 : vector<512x1xf32>
    %swap3A_127 = arith.constant 1536 : index
    %swap3A_128 = arith.constant 0 : index
    %swap3A_129 = vector.load %arg14[%swap3A_127, %swap3A_128] : memref<4096x1xf32, #tpu.memory_space<vmem>>, vector<512x1xf32>
    tpu.vector_store %arg14[%swap3A_127, %swap3A_128], %add3A_126 {strides = array<i32>} : memref<4096x1xf32, #tpu.memory_space<vmem>>, vector<512x1xf32>,
    %convert_element_type3A_130 = arith.truncf %get3A_108 : vector<512x832xf32> to vector<512x832xbf16>
    %swap3A_131 = arith.constant 1536 : index
    %swap3A_132 = arith.constant 0 : index
    %swap3A_133 = vector.load %arg15[%swap3A_131, %swap3A_132] : memref<4096x832xbf16, #tpu.memory_space<vmem>>, vector<512x832xbf16>
    tpu.vector_store %arg15[%swap3A_131, %swap3A_132], %convert_element_type3A_130 {strides = array<i32>} : memref<4096x832xbf16, #tpu.memory_space<vmem>>, vector<512x832xbf16>,
    %get3A_134 = arith.constant 2048 : index
    %get3A_135 = arith.constant 0 : index
    %get3A_136 = vector.load %arg0[%get3A_134, %get3A_135] : memref<4096x832xf32, #tpu.memory_space<vmem>>, vector<512x832xf32>
    %dot_general3A_137 = arith.constant dense<0.000000e+00> : vector<512x32xf32>
    %dot_general3A_138 = tpu.matmul %get3A_136, %select_n3A_21, %dot_general3A_137 {dimension_numbers = #tpu.dot_dimension_numbers<[1], [0], [0], [1], [0, 0, 1, 1], [], []>, transpose_lhs_hint = false} : vector<512x832xf32>, vector<832x32xf32>, vector<512x32xf32> -> vector<512x32xf32>
    %mul3A_139 = arith.mulf %get3A_136, %get3A_136 : vector<512x832xf32>
    %dot_general3A_140 = arith.constant dense<0.000000e+00> : vector<512x1xf32>
    %dot_general3A_141 = tpu.matmul %mul3A_139, %broadcast_in_dim3A_23, %dot_general3A_140 {dimension_numbers = #tpu.dot_dimension_numbers<[1], [0], [0], [1], [0, 0, 1, 1], [], []>, transpose_lhs_hint = false} : vector<512x832xf32>, vector<832x1xf32>, vector<512x1xf32> -> vector<512x1xf32>
    %mul3A_142 = arith.mulf %dot_general3A_138, %dot_general3A_138 : vector<512x32xf32>
    %dot_general3A_143 = arith.constant dense<0.000000e+00> : vector<512x1xf32>
    %dot_general3A_144 = tpu.matmul %mul3A_142, %broadcast_in_dim3A_25, %dot_general3A_143 {dimension_numbers = #tpu.dot_dimension_numbers<[1], [0], [0], [1], [0, 0, 1, 1], [], []>, transpose_lhs_hint = false} : vector<512x32xf32>, vector<32x1xf32>, vector<512x1xf32> -> vector<512x1xf32>
    %get3A_145 = arith.constant 2048 : index
    %get3A_146 = arith.constant 0 : index
    %get3A_147 = vector.load %arg1[%get3A_145, %get3A_146] : memref<4096x26xf32, #tpu.memory_space<vmem>>, vector<512x26xf32>
    %dot_general3A_148 = arith.constant dense<0.000000e+00> : vector<512x1xf32>
    %dot_general3A_149 = tpu.matmul %get3A_147, %broadcast_in_dim3A_27, %dot_general3A_148 {dimension_numbers = #tpu.dot_dimension_numbers<[1], [0], [0], [1], [0, 0, 1, 1], [], []>, transpose_lhs_hint = false} : vector<512x26xf32>, vector<26x1xf32>, vector<512x1xf32> -> vector<512x1xf32>
    %sub3A_150 = arith.subf %dot_general3A_144, %dot_general3A_141 : vector<512x1xf32>
    %mul3A_151 = arith.constant 5.000000e-01 : f32
    %mul3A_152 = vector.broadcast %mul3A_151 : f32 to vector<512x1xf32>
    %mul3A_153 = arith.mulf %mul3A_152, %sub3A_150 : vector<512x1xf32>
    %add3A_154 = arith.addf %dot_general3A_149, %mul3A_153 : vector<512x1xf32>
    %swap3A_155 = arith.constant 2048 : index
    %swap3A_156 = arith.constant 0 : index
    %swap3A_157 = vector.load %arg14[%swap3A_155, %swap3A_156] : memref<4096x1xf32, #tpu.memory_space<vmem>>, vector<512x1xf32>
    tpu.vector_store %arg14[%swap3A_155, %swap3A_156], %add3A_154 {strides = array<i32>} : memref<4096x1xf32, #tpu.memory_space<vmem>>, vector<512x1xf32>,
    %convert_element_type3A_158 = arith.truncf %get3A_136 : vector<512x832xf32> to vector<512x832xbf16>
    %swap3A_159 = arith.constant 2048 : index
    %swap3A_160 = arith.constant 0 : index
    %swap3A_161 = vector.load %arg15[%swap3A_159, %swap3A_160] : memref<4096x832xbf16, #tpu.memory_space<vmem>>, vector<512x832xbf16>
    tpu.vector_store %arg15[%swap3A_159, %swap3A_160], %convert_element_type3A_158 {strides = array<i32>} : memref<4096x832xbf16, #tpu.memory_space<vmem>>, vector<512x832xbf16>,
    %get3A_162 = arith.constant 2560 : index
    %get3A_163 = arith.constant 0 : index
    %get3A_164 = vector.load %arg0[%get3A_162, %get3A_163] : memref<4096x832xf32, #tpu.memory_space<vmem>>, vector<512x832xf32>
    %dot_general3A_165 = arith.constant dense<0.000000e+00> : vector<512x32xf32>
    %dot_general3A_166 = tpu.matmul %get3A_164, %select_n3A_21, %dot_general3A_165 {dimension_numbers = #tpu.dot_dimension_numbers<[1], [0], [0], [1], [0, 0, 1, 1], [], []>, transpose_lhs_hint = false} : vector<512x832xf32>, vector<832x32xf32>, vector<512x32xf32> -> vector<512x32xf32>
    %mul3A_167 = arith.mulf %get3A_164, %get3A_164 : vector<512x832xf32>
    %dot_general3A_168 = arith.constant dense<0.000000e+00> : vector<512x1xf32>
    %dot_general3A_169 = tpu.matmul %mul3A_167, %broadcast_in_dim3A_23, %dot_general3A_168 {dimension_numbers = #tpu.dot_dimension_numbers<[1], [0], [0], [1], [0, 0, 1, 1], [], []>, transpose_lhs_hint = false} : vector<512x832xf32>, vector<832x1xf32>, vector<512x1xf32> -> vector<512x1xf32>
    %mul3A_170 = arith.mulf %dot_general3A_166, %dot_general3A_166 : vector<512x32xf32>
    %dot_general3A_171 = arith.constant dense<0.000000e+00> : vector<512x1xf32>
    %dot_general3A_172 = tpu.matmul %mul3A_170, %broadcast_in_dim3A_25, %dot_general3A_171 {dimension_numbers = #tpu.dot_dimension_numbers<[1], [0], [0], [1], [0, 0, 1, 1], [], []>, transpose_lhs_hint = false} : vector<512x32xf32>, vector<32x1xf32>, vector<512x1xf32> -> vector<512x1xf32>
    %get3A_173 = arith.constant 2560 : index
    %get3A_174 = arith.constant 0 : index
    %get3A_175 = vector.load %arg1[%get3A_173, %get3A_174] : memref<4096x26xf32, #tpu.memory_space<vmem>>, vector<512x26xf32>
    %dot_general3A_176 = arith.constant dense<0.000000e+00> : vector<512x1xf32>
    %dot_general3A_177 = tpu.matmul %get3A_175, %broadcast_in_dim3A_27, %dot_general3A_176 {dimension_numbers = #tpu.dot_dimension_numbers<[1], [0], [0], [1], [0, 0, 1, 1], [], []>, transpose_lhs_hint = false} : vector<512x26xf32>, vector<26x1xf32>, vector<512x1xf32> -> vector<512x1xf32>
    %sub3A_178 = arith.subf %dot_general3A_172, %dot_general3A_169 : vector<512x1xf32>
    %mul3A_179 = arith.constant 5.000000e-01 : f32
    %mul3A_180 = vector.broadcast %mul3A_179 : f32 to vector<512x1xf32>
    %mul3A_181 = arith.mulf %mul3A_180, %sub3A_178 : vector<512x1xf32>
    %add3A_182 = arith.addf %dot_general3A_177, %mul3A_181 : vector<512x1xf32>
    %swap3A_183 = arith.constant 2560 : index
    %swap3A_184 = arith.constant 0 : index
    %swap3A_185 = vector.load %arg14[%swap3A_183, %swap3A_184] : memref<4096x1xf32, #tpu.memory_space<vmem>>, vector<512x1xf32>
    tpu.vector_store %arg14[%swap3A_183, %swap3A_184], %add3A_182 {strides = array<i32>} : memref<4096x1xf32, #tpu.memory_space<vmem>>, vector<512x1xf32>,
    %convert_element_type3A_186 = arith.truncf %get3A_164 : vector<512x832xf32> to vector<512x832xbf16>
    %swap3A_187 = arith.constant 2560 : index
    %swap3A_188 = arith.constant 0 : index
    %swap3A_189 = vector.load %arg15[%swap3A_187, %swap3A_188] : memref<4096x832xbf16, #tpu.memory_space<vmem>>, vector<512x832xbf16>
    tpu.vector_store %arg15[%swap3A_187, %swap3A_188], %convert_element_type3A_186 {strides = array<i32>} : memref<4096x832xbf16, #tpu.memory_space<vmem>>, vector<512x832xbf16>,
    %get3A_190 = arith.constant 3072 : index
    %get3A_191 = arith.constant 0 : index
    %get3A_192 = vector.load %arg0[%get3A_190, %get3A_191] : memref<4096x832xf32, #tpu.memory_space<vmem>>, vector<512x832xf32>
    %dot_general3A_193 = arith.constant dense<0.000000e+00> : vector<512x32xf32>
    %dot_general3A_194 = tpu.matmul %get3A_192, %select_n3A_21, %dot_general3A_193 {dimension_numbers = #tpu.dot_dimension_numbers<[1], [0], [0], [1], [0, 0, 1, 1], [], []>, transpose_lhs_hint = false} : vector<512x832xf32>, vector<832x32xf32>, vector<512x32xf32> -> vector<512x32xf32>
    %mul3A_195 = arith.mulf %get3A_192, %get3A_192 : vector<512x832xf32>
    %dot_general3A_196 = arith.constant dense<0.000000e+00> : vector<512x1xf32>
    %dot_general3A_197 = tpu.matmul %mul3A_195, %broadcast_in_dim3A_23, %dot_general3A_196 {dimension_numbers = #tpu.dot_dimension_numbers<[1], [0], [0], [1], [0, 0, 1, 1], [], []>, transpose_lhs_hint = false} : vector<512x832xf32>, vector<832x1xf32>, vector<512x1xf32> -> vector<512x1xf32>
    %mul3A_198 = arith.mulf %dot_general3A_194, %dot_general3A_194 : vector<512x32xf32>
    %dot_general3A_199 = arith.constant dense<0.000000e+00> : vector<512x1xf32>
    %dot_general3A_200 = tpu.matmul %mul3A_198, %broadcast_in_dim3A_25, %dot_general3A_199 {dimension_numbers = #tpu.dot_dimension_numbers<[1], [0], [0], [1], [0, 0, 1, 1], [], []>, transpose_lhs_hint = false} : vector<512x32xf32>, vector<32x1xf32>, vector<512x1xf32> -> vector<512x1xf32>
    %get3A_201 = arith.constant 3072 : index
    %get3A_202 = arith.constant 0 : index
    %get3A_203 = vector.load %arg1[%get3A_201, %get3A_202] : memref<4096x26xf32, #tpu.memory_space<vmem>>, vector<512x26xf32>
    %dot_general3A_204 = arith.constant dense<0.000000e+00> : vector<512x1xf32>
    %dot_general3A_205 = tpu.matmul %get3A_203, %broadcast_in_dim3A_27, %dot_general3A_204 {dimension_numbers = #tpu.dot_dimension_numbers<[1], [0], [0], [1], [0, 0, 1, 1], [], []>, transpose_lhs_hint = false} : vector<512x26xf32>, vector<26x1xf32>, vector<512x1xf32> -> vector<512x1xf32>
    %sub3A_206 = arith.subf %dot_general3A_200, %dot_general3A_197 : vector<512x1xf32>
    %mul3A_207 = arith.constant 5.000000e-01 : f32
    %mul3A_208 = vector.broadcast %mul3A_207 : f32 to vector<512x1xf32>
    %mul3A_209 = arith.mulf %mul3A_208, %sub3A_206 : vector<512x1xf32>
    %add3A_210 = arith.addf %dot_general3A_205, %mul3A_209 : vector<512x1xf32>
    %swap3A_211 = arith.constant 3072 : index
    %swap3A_212 = arith.constant 0 : index
    %swap3A_213 = vector.load %arg14[%swap3A_211, %swap3A_212] : memref<4096x1xf32, #tpu.memory_space<vmem>>, vector<512x1xf32>
    tpu.vector_store %arg14[%swap3A_211, %swap3A_212], %add3A_210 {strides = array<i32>} : memref<4096x1xf32, #tpu.memory_space<vmem>>, vector<512x1xf32>,
    %convert_element_type3A_214 = arith.truncf %get3A_192 : vector<512x832xf32> to vector<512x832xbf16>
    %swap3A_215 = arith.constant 3072 : index
    %swap3A_216 = arith.constant 0 : index
    %swap3A_217 = vector.load %arg15[%swap3A_215, %swap3A_216] : memref<4096x832xbf16, #tpu.memory_space<vmem>>, vector<512x832xbf16>
    tpu.vector_store %arg15[%swap3A_215, %swap3A_216], %convert_element_type3A_214 {strides = array<i32>} : memref<4096x832xbf16, #tpu.memory_space<vmem>>, vector<512x832xbf16>,
    %get3A_218 = arith.constant 3584 : index
    %get3A_219 = arith.constant 0 : index
    %get3A_220 = vector.load %arg0[%get3A_218, %get3A_219] : memref<4096x832xf32, #tpu.memory_space<vmem>>, vector<512x832xf32>
    %dot_general3A_221 = arith.constant dense<0.000000e+00> : vector<512x32xf32>
    %dot_general3A_222 = tpu.matmul %get3A_220, %select_n3A_21, %dot_general3A_221 {dimension_numbers = #tpu.dot_dimension_numbers<[1], [0], [0], [1], [0, 0, 1, 1], [], []>, transpose_lhs_hint = false} : vector<512x832xf32>, vector<832x32xf32>, vector<512x32xf32> -> vector<512x32xf32>
    %mul3A_223 = arith.mulf %get3A_220, %get3A_220 : vector<512x832xf32>
    %dot_general3A_224 = arith.constant dense<0.000000e+00> : vector<512x1xf32>
    %dot_general3A_225 = tpu.matmul %mul3A_223, %broadcast_in_dim3A_23, %dot_general3A_224 {dimension_numbers = #tpu.dot_dimension_numbers<[1], [0], [0], [1], [0, 0, 1, 1], [], []>, transpose_lhs_hint = false} : vector<512x832xf32>, vector<832x1xf32>, vector<512x1xf32> -> vector<512x1xf32>
    %mul3A_226 = arith.mulf %dot_general3A_222, %dot_general3A_222 : vector<512x32xf32>
    %dot_general3A_227 = arith.constant dense<0.000000e+00> : vector<512x1xf32>
    %dot_general3A_228 = tpu.matmul %mul3A_226, %broadcast_in_dim3A_25, %dot_general3A_227 {dimension_numbers = #tpu.dot_dimension_numbers<[1], [0], [0], [1], [0, 0, 1, 1], [], []>, transpose_lhs_hint = false} : vector<512x32xf32>, vector<32x1xf32>, vector<512x1xf32> -> vector<512x1xf32>
    %get3A_229 = arith.constant 3584 : index
    %get3A_230 = arith.constant 0 : index
    %get3A_231 = vector.load %arg1[%get3A_229, %get3A_230] : memref<4096x26xf32, #tpu.memory_space<vmem>>, vector<512x26xf32>
    %dot_general3A_232 = arith.constant dense<0.000000e+00> : vector<512x1xf32>
    %dot_general3A_233 = tpu.matmul %get3A_231, %broadcast_in_dim3A_27, %dot_general3A_232 {dimension_numbers = #tpu.dot_dimension_numbers<[1], [0], [0], [1], [0, 0, 1, 1], [], []>, transpose_lhs_hint = false} : vector<512x26xf32>, vector<26x1xf32>, vector<512x1xf32> -> vector<512x1xf32>
    %sub3A_234 = arith.subf %dot_general3A_228, %dot_general3A_225 : vector<512x1xf32>
    %mul3A_235 = arith.constant 5.000000e-01 : f32
    %mul3A_236 = vector.broadcast %mul3A_235 : f32 to vector<512x1xf32>
    %mul3A_237 = arith.mulf %mul3A_236, %sub3A_234 : vector<512x1xf32>
    %add3A_238 = arith.addf %dot_general3A_233, %mul3A_237 : vector<512x1xf32>
    %swap3A_239 = arith.constant 3584 : index
    %swap3A_240 = arith.constant 0 : index
    %swap3A_241 = vector.load %arg14[%swap3A_239, %swap3A_240] : memref<4096x1xf32, #tpu.memory_space<vmem>>, vector<512x1xf32>
    tpu.vector_store %arg14[%swap3A_239, %swap3A_240], %add3A_238 {strides = array<i32>} : memref<4096x1xf32, #tpu.memory_space<vmem>>, vector<512x1xf32>,
    %convert_element_type3A_242 = arith.truncf %get3A_220 : vector<512x832xf32> to vector<512x832xbf16>
    %swap3A_243 = arith.constant 3584 : index
    %swap3A_244 = arith.constant 0 : index
    %swap3A_245 = vector.load %arg15[%swap3A_243, %swap3A_244] : memref<4096x832xbf16, #tpu.memory_space<vmem>>, vector<512x832xbf16>
    tpu.vector_store %arg15[%swap3A_243, %swap3A_244], %convert_element_type3A_242 {strides = array<i32>} : memref<4096x832xbf16, #tpu.memory_space<vmem>>, vector<512x832xbf16>,
    %get3A_246 = arith.constant 0 : index
    %get3A_247 = arith.constant 0 : index
    %get3A_248 = vector.load %arg15[%get3A_246, %get3A_247] : memref<4096x832xbf16, #tpu.memory_space<vmem>>, vector<4096x832xbf16>
    %get3A_249 = arith.constant 0 : index
    %get3A_250 = arith.constant 0 : index
    %get3A_251 = vector.load %arg2[%get3A_249, %get3A_250] : memref<832x1024xbf16, #tpu.memory_space<vmem>>, vector<832x256xbf16>
    %dot_general3A_252 = arith.constant dense<0.000000e+00> : vector<4096x256xf32>
    %dot_general3A_253 = tpu.matmul %get3A_248, %get3A_251, %dot_general3A_252 {dimension_numbers = #tpu.dot_dimension_numbers<[1], [0], [0], [1], [0, 0, 1, 1], [], []>, transpose_lhs_hint = false} : vector<4096x832xbf16>, vector<832x256xbf16>, vector<4096x256xf32> -> vector<4096x256xf32>
    %get3A_254 = arith.constant 0 : index
    %get3A_255 = arith.constant 0 : index
    %get3A_256 = vector.load %arg3[%get3A_254, %get3A_255] : memref<1x1024xf32, #tpu.memory_space<vmem>>, vector<1x256xf32>
    %add3A_257 = vector.broadcast %get3A_256 : vector<1x256xf32> to vector<4096x256xf32>
    %add3A_258 = arith.addf %dot_general3A_253, %add3A_257 : vector<4096x256xf32>
    %get3A_259 = arith.constant 0 : index
    %get3A_260 = arith.constant 0 : index
    %get3A_261 = vector.load %arg4[%get3A_259, %get3A_260] : memref<1x1024xf32, #tpu.memory_space<vmem>>, vector<1x256xf32>
    %get3A_262 = arith.constant 0 : index
    %get3A_263 = arith.constant 0 : index
    %get3A_264 = vector.load %arg5[%get3A_262, %get3A_263] : memref<1x1024xf32, #tpu.memory_space<vmem>>, vector<1x256xf32>
    %dot_general3A_265 = arith.constant dense<0.000000e+00> : vector<1x256xf32>
    %dot_general3A_266 = tpu.matmul %broadcast_in_dim3A_0, %add3A_258, %dot_general3A_265 {dimension_numbers = #tpu.dot_dimension_numbers<[1], [0], [0], [1], [0, 0, 1, 1], [], []>, transpose_lhs_hint = false} : vector<1x4096xf32>, vector<4096x256xf32>, vector<1x256xf32> -> vector<1x256xf32>
    %mul3A_267 = arith.constant 2.44140625E-4 : f32
    %mul3A_268 = vector.broadcast %mul3A_267 : f32 to vector<1x256xf32>
    %mul3A_269 = arith.mulf %dot_general3A_266, %mul3A_268 : vector<1x256xf32>
    %mul3A_270 = arith.mulf %add3A_258, %add3A_258 : vector<4096x256xf32>
    %dot_general3A_271 = arith.constant dense<0.000000e+00> : vector<1x256xf32>
    %dot_general3A_272 = tpu.matmul %broadcast_in_dim3A_0, %mul3A_270, %dot_general3A_271 {dimension_numbers = #tpu.dot_dimension_numbers<[1], [0], [0], [1], [0, 0, 1, 1], [], []>, transpose_lhs_hint = false} : vector<1x4096xf32>, vector<4096x256xf32>, vector<1x256xf32> -> vector<1x256xf32>
    %mul3A_273 = arith.constant 2.44140625E-4 : f32
    %mul3A_274 = vector.broadcast %mul3A_273 : f32 to vector<1x256xf32>
    %mul3A_275 = arith.mulf %dot_general3A_272, %mul3A_274 : vector<1x256xf32>
    %mul3A_276 = arith.mulf %mul3A_269, %mul3A_269 : vector<1x256xf32>
    %sub3A_277 = arith.subf %mul3A_275, %mul3A_276 : vector<1x256xf32>
    %sub3A_278 = vector.broadcast %mul3A_269 : vector<1x256xf32> to vector<4096x256xf32>
    %sub3A_279 = arith.subf %add3A_258, %sub3A_278 : vector<4096x256xf32>
    %add3A_280 = arith.constant 9.99999974E-6 : f32
    %add3A_281 = vector.broadcast %add3A_280 : f32 to vector<1x256xf32>
    %add3A_282 = arith.addf %sub3A_277, %add3A_281 : vector<1x256xf32>
    %sqrt3A = math.sqrt %add3A_282 : vector<1x256xf32>
    %div3A = vector.broadcast %sqrt3A : vector<1x256xf32> to vector<4096x256xf32>
    %div3A_283 = arith.divf %sub3A_279, %div3A : vector<4096x256xf32>
    %mul3A_284 = vector.broadcast %get3A_261 : vector<1x256xf32> to vector<4096x256xf32>
    %mul3A_285 = arith.mulf %div3A_283, %mul3A_284 : vector<4096x256xf32>
    %add3A_286 = vector.broadcast %get3A_264 : vector<1x256xf32> to vector<4096x256xf32>
    %add3A_287 = arith.addf %mul3A_285, %add3A_286 : vector<4096x256xf32>
    %max3A = arith.constant 0.000000e+00 : f32
    %max3A_288 = vector.broadcast %max3A : f32 to vector<4096x256xf32>
    %max3A_289 = arith.maximumf %add3A_287, %max3A_288 : vector<4096x256xf32>
    %convert_element_type3A_290 = arith.truncf %max3A_289 : vector<4096x256xf32> to vector<4096x256xbf16>
    %swap3A_291 = arith.constant 0 : index
    %swap3A_292 = arith.constant 0 : index
    %swap3A_293 = vector.load %arg16[%swap3A_291, %swap3A_292] : memref<4096x1024xbf16, #tpu.memory_space<vmem>>, vector<4096x256xbf16>
    tpu.vector_store %arg16[%swap3A_291, %swap3A_292], %convert_element_type3A_290 {strides = array<i32>} : memref<4096x1024xbf16, #tpu.memory_space<vmem>>, vector<4096x256xbf16>,
    %get3A_294 = arith.constant 0 : index
    %get3A_295 = arith.constant 0 : index
    %get3A_296 = vector.load %arg15[%get3A_294, %get3A_295] : memref<4096x832xbf16, #tpu.memory_space<vmem>>, vector<4096x832xbf16>
    %get3A_297 = arith.constant 0 : index
    %get3A_298 = arith.constant 256 : index
    %get3A_299 = vector.load %arg2[%get3A_297, %get3A_298] : memref<832x1024xbf16, #tpu.memory_space<vmem>>, vector<832x256xbf16>
    %dot_general3A_300 = arith.constant dense<0.000000e+00> : vector<4096x256xf32>
    %dot_general3A_301 = tpu.matmul %get3A_296, %get3A_299, %dot_general3A_300 {dimension_numbers = #tpu.dot_dimension_numbers<[1], [0], [0], [1], [0, 0, 1, 1], [], []>, transpose_lhs_hint = false} : vector<4096x832xbf16>, vector<832x256xbf16>, vector<4096x256xf32> -> vector<4096x256xf32>
    %get3A_302 = arith.constant 0 : index
    %get3A_303 = arith.constant 256 : index
    %get3A_304 = vector.load %arg3[%get3A_302, %get3A_303] : memref<1x1024xf32, #tpu.memory_space<vmem>>, vector<1x256xf32>
    %add3A_305 = vector.broadcast %get3A_304 : vector<1x256xf32> to vector<4096x256xf32>
    %add3A_306 = arith.addf %dot_general3A_301, %add3A_305 : vector<4096x256xf32>
    %get3A_307 = arith.constant 0 : index
    %get3A_308 = arith.constant 256 : index
    %get3A_309 = vector.load %arg4[%get3A_307, %get3A_308] : memref<1x1024xf32, #tpu.memory_space<vmem>>, vector<1x256xf32>
    %get3A_310 = arith.constant 0 : index
    %get3A_311 = arith.constant 256 : index
    %get3A_312 = vector.load %arg5[%get3A_310, %get3A_311] : memref<1x1024xf32, #tpu.memory_space<vmem>>, vector<1x256xf32>
    %dot_general3A_313 = arith.constant dense<0.000000e+00> : vector<1x256xf32>
    %dot_general3A_314 = tpu.matmul %broadcast_in_dim3A_0, %add3A_306, %dot_general3A_313 {dimension_numbers = #tpu.dot_dimension_numbers<[1], [0], [0], [1], [0, 0, 1, 1], [], []>, transpose_lhs_hint = false} : vector<1x4096xf32>, vector<4096x256xf32>, vector<1x256xf32> -> vector<1x256xf32>
    %mul3A_315 = arith.constant 2.44140625E-4 : f32
    %mul3A_316 = vector.broadcast %mul3A_315 : f32 to vector<1x256xf32>
    %mul3A_317 = arith.mulf %dot_general3A_314, %mul3A_316 : vector<1x256xf32>
    %mul3A_318 = arith.mulf %add3A_306, %add3A_306 : vector<4096x256xf32>
    %dot_general3A_319 = arith.constant dense<0.000000e+00> : vector<1x256xf32>
    %dot_general3A_320 = tpu.matmul %broadcast_in_dim3A_0, %mul3A_318, %dot_general3A_319 {dimension_numbers = #tpu.dot_dimension_numbers<[1], [0], [0], [1], [0, 0, 1, 1], [], []>, transpose_lhs_hint = false} : vector<1x4096xf32>, vector<4096x256xf32>, vector<1x256xf32> -> vector<1x256xf32>
    %mul3A_321 = arith.constant 2.44140625E-4 : f32
    %mul3A_322 = vector.broadcast %mul3A_321 : f32 to vector<1x256xf32>
    %mul3A_323 = arith.mulf %dot_general3A_320, %mul3A_322 : vector<1x256xf32>
    %mul3A_324 = arith.mulf %mul3A_317, %mul3A_317 : vector<1x256xf32>
    %sub3A_325 = arith.subf %mul3A_323, %mul3A_324 : vector<1x256xf32>
    %sub3A_326 = vector.broadcast %mul3A_317 : vector<1x256xf32> to vector<4096x256xf32>
    %sub3A_327 = arith.subf %add3A_306, %sub3A_326 : vector<4096x256xf32>
    %add3A_328 = arith.constant 9.99999974E-6 : f32
    %add3A_329 = vector.broadcast %add3A_328 : f32 to vector<1x256xf32>
    %add3A_330 = arith.addf %sub3A_325, %add3A_329 : vector<1x256xf32>
    %sqrt3A_331 = math.sqrt %add3A_330 : vector<1x256xf32>
    %div3A_332 = vector.broadcast %sqrt3A_331 : vector<1x256xf32> to vector<4096x256xf32>
    %div3A_333 = arith.divf %sub3A_327, %div3A_332 : vector<4096x256xf32>
    %mul3A_334 = vector.broadcast %get3A_309 : vector<1x256xf32> to vector<4096x256xf32>
    %mul3A_335 = arith.mulf %div3A_333, %mul3A_334 : vector<4096x256xf32>
    %add3A_336 = vector.broadcast %get3A_312 : vector<1x256xf32> to vector<4096x256xf32>
    %add3A_337 = arith.addf %mul3A_335, %add3A_336 : vector<4096x256xf32>
    %max3A_338 = arith.constant 0.000000e+00 : f32
    %max3A_339 = vector.broadcast %max3A_338 : f32 to vector<4096x256xf32>
    %max3A_340 = arith.maximumf %add3A_337, %max3A_339 : vector<4096x256xf32>
    %convert_element_type3A_341 = arith.truncf %max3A_340 : vector<4096x256xf32> to vector<4096x256xbf16>
    %swap3A_342 = arith.constant 0 : index
    %swap3A_343 = arith.constant 256 : index
    %swap3A_344 = vector.load %arg16[%swap3A_342, %swap3A_343] : memref<4096x1024xbf16, #tpu.memory_space<vmem>>, vector<4096x256xbf16>
    tpu.vector_store %arg16[%swap3A_342, %swap3A_343], %convert_element_type3A_341 {strides = array<i32>} : memref<4096x1024xbf16, #tpu.memory_space<vmem>>, vector<4096x256xbf16>,
    %get3A_345 = arith.constant 0 : index
    %get3A_346 = arith.constant 0 : index
    %get3A_347 = vector.load %arg15[%get3A_345, %get3A_346] : memref<4096x832xbf16, #tpu.memory_space<vmem>>, vector<4096x832xbf16>
    %get3A_348 = arith.constant 0 : index
    %get3A_349 = arith.constant 512 : index
    %get3A_350 = vector.load %arg2[%get3A_348, %get3A_349] : memref<832x1024xbf16, #tpu.memory_space<vmem>>, vector<832x256xbf16>
    %dot_general3A_351 = arith.constant dense<0.000000e+00> : vector<4096x256xf32>
    %dot_general3A_352 = tpu.matmul %get3A_347, %get3A_350, %dot_general3A_351 {dimension_numbers = #tpu.dot_dimension_numbers<[1], [0], [0], [1], [0, 0, 1, 1], [], []>, transpose_lhs_hint = false} : vector<4096x832xbf16>, vector<832x256xbf16>, vector<4096x256xf32> -> vector<4096x256xf32>
    %get3A_353 = arith.constant 0 : index
    %get3A_354 = arith.constant 512 : index
    %get3A_355 = vector.load %arg3[%get3A_353, %get3A_354] : memref<1x1024xf32, #tpu.memory_space<vmem>>, vector<1x256xf32>
    %add3A_356 = vector.broadcast %get3A_355 : vector<1x256xf32> to vector<4096x256xf32>
    %add3A_357 = arith.addf %dot_general3A_352, %add3A_356 : vector<4096x256xf32>
    %get3A_358 = arith.constant 0 : index
    %get3A_359 = arith.constant 512 : index
    %get3A_360 = vector.load %arg4[%get3A_358, %get3A_359] : memref<1x1024xf32, #tpu.memory_space<vmem>>, vector<1x256xf32>
    %get3A_361 = arith.constant 0 : index
    %get3A_362 = arith.constant 512 : index
    %get3A_363 = vector.load %arg5[%get3A_361, %get3A_362] : memref<1x1024xf32, #tpu.memory_space<vmem>>, vector<1x256xf32>
    %dot_general3A_364 = arith.constant dense<0.000000e+00> : vector<1x256xf32>
    %dot_general3A_365 = tpu.matmul %broadcast_in_dim3A_0, %add3A_357, %dot_general3A_364 {dimension_numbers = #tpu.dot_dimension_numbers<[1], [0], [0], [1], [0, 0, 1, 1], [], []>, transpose_lhs_hint = false} : vector<1x4096xf32>, vector<4096x256xf32>, vector<1x256xf32> -> vector<1x256xf32>
    %mul3A_366 = arith.constant 2.44140625E-4 : f32
    %mul3A_367 = vector.broadcast %mul3A_366 : f32 to vector<1x256xf32>
    %mul3A_368 = arith.mulf %dot_general3A_365, %mul3A_367 : vector<1x256xf32>
    %mul3A_369 = arith.mulf %add3A_357, %add3A_357 : vector<4096x256xf32>
    %dot_general3A_370 = arith.constant dense<0.000000e+00> : vector<1x256xf32>
    %dot_general3A_371 = tpu.matmul %broadcast_in_dim3A_0, %mul3A_369, %dot_general3A_370 {dimension_numbers = #tpu.dot_dimension_numbers<[1], [0], [0], [1], [0, 0, 1, 1], [], []>, transpose_lhs_hint = false} : vector<1x4096xf32>, vector<4096x256xf32>, vector<1x256xf32> -> vector<1x256xf32>
    %mul3A_372 = arith.constant 2.44140625E-4 : f32
    %mul3A_373 = vector.broadcast %mul3A_372 : f32 to vector<1x256xf32>
    %mul3A_374 = arith.mulf %dot_general3A_371, %mul3A_373 : vector<1x256xf32>
    %mul3A_375 = arith.mulf %mul3A_368, %mul3A_368 : vector<1x256xf32>
    %sub3A_376 = arith.subf %mul3A_374, %mul3A_375 : vector<1x256xf32>
    %sub3A_377 = vector.broadcast %mul3A_368 : vector<1x256xf32> to vector<4096x256xf32>
    %sub3A_378 = arith.subf %add3A_357, %sub3A_377 : vector<4096x256xf32>
    %add3A_379 = arith.constant 9.99999974E-6 : f32
    %add3A_380 = vector.broadcast %add3A_379 : f32 to vector<1x256xf32>
    %add3A_381 = arith.addf %sub3A_376, %add3A_380 : vector<1x256xf32>
    %sqrt3A_382 = math.sqrt %add3A_381 : vector<1x256xf32>
    %div3A_383 = vector.broadcast %sqrt3A_382 : vector<1x256xf32> to vector<4096x256xf32>
    %div3A_384 = arith.divf %sub3A_378, %div3A_383 : vector<4096x256xf32>
    %mul3A_385 = vector.broadcast %get3A_360 : vector<1x256xf32> to vector<4096x256xf32>
    %mul3A_386 = arith.mulf %div3A_384, %mul3A_385 : vector<4096x256xf32>
    %add3A_387 = vector.broadcast %get3A_363 : vector<1x256xf32> to vector<4096x256xf32>
    %add3A_388 = arith.addf %mul3A_386, %add3A_387 : vector<4096x256xf32>
    %max3A_389 = arith.constant 0.000000e+00 : f32
    %max3A_390 = vector.broadcast %max3A_389 : f32 to vector<4096x256xf32>
    %max3A_391 = arith.maximumf %add3A_388, %max3A_390 : vector<4096x256xf32>
    %convert_element_type3A_392 = arith.truncf %max3A_391 : vector<4096x256xf32> to vector<4096x256xbf16>
    %swap3A_393 = arith.constant 0 : index
    %swap3A_394 = arith.constant 512 : index
    %swap3A_395 = vector.load %arg16[%swap3A_393, %swap3A_394] : memref<4096x1024xbf16, #tpu.memory_space<vmem>>, vector<4096x256xbf16>
    tpu.vector_store %arg16[%swap3A_393, %swap3A_394], %convert_element_type3A_392 {strides = array<i32>} : memref<4096x1024xbf16, #tpu.memory_space<vmem>>, vector<4096x256xbf16>,
    %get3A_396 = arith.constant 0 : index
    %get3A_397 = arith.constant 0 : index
    %get3A_398 = vector.load %arg15[%get3A_396, %get3A_397] : memref<4096x832xbf16, #tpu.memory_space<vmem>>, vector<4096x832xbf16>
    %get3A_399 = arith.constant 0 : index
    %get3A_400 = arith.constant 768 : index
    %get3A_401 = vector.load %arg2[%get3A_399, %get3A_400] : memref<832x1024xbf16, #tpu.memory_space<vmem>>, vector<832x256xbf16>
    %dot_general3A_402 = arith.constant dense<0.000000e+00> : vector<4096x256xf32>
    %dot_general3A_403 = tpu.matmul %get3A_398, %get3A_401, %dot_general3A_402 {dimension_numbers = #tpu.dot_dimension_numbers<[1], [0], [0], [1], [0, 0, 1, 1], [], []>, transpose_lhs_hint = false} : vector<4096x832xbf16>, vector<832x256xbf16>, vector<4096x256xf32> -> vector<4096x256xf32>
    %get3A_404 = arith.constant 0 : index
    %get3A_405 = arith.constant 768 : index
    %get3A_406 = vector.load %arg3[%get3A_404, %get3A_405] : memref<1x1024xf32, #tpu.memory_space<vmem>>, vector<1x256xf32>
    %add3A_407 = vector.broadcast %get3A_406 : vector<1x256xf32> to vector<4096x256xf32>
    %add3A_408 = arith.addf %dot_general3A_403, %add3A_407 : vector<4096x256xf32>
    %get3A_409 = arith.constant 0 : index
    %get3A_410 = arith.constant 768 : index
    %get3A_411 = vector.load %arg4[%get3A_409, %get3A_410] : memref<1x1024xf32, #tpu.memory_space<vmem>>, vector<1x256xf32>
    %get3A_412 = arith.constant 0 : index
    %get3A_413 = arith.constant 768 : index
    %get3A_414 = vector.load %arg5[%get3A_412, %get3A_413] : memref<1x1024xf32, #tpu.memory_space<vmem>>, vector<1x256xf32>
    %dot_general3A_415 = arith.constant dense<0.000000e+00> : vector<1x256xf32>
    %dot_general3A_416 = tpu.matmul %broadcast_in_dim3A_0, %add3A_408, %dot_general3A_415 {dimension_numbers = #tpu.dot_dimension_numbers<[1], [0], [0], [1], [0, 0, 1, 1], [], []>, transpose_lhs_hint = false} : vector<1x4096xf32>, vector<4096x256xf32>, vector<1x256xf32> -> vector<1x256xf32>
    %mul3A_417 = arith.constant 2.44140625E-4 : f32
    %mul3A_418 = vector.broadcast %mul3A_417 : f32 to vector<1x256xf32>
    %mul3A_419 = arith.mulf %dot_general3A_416, %mul3A_418 : vector<1x256xf32>
    %mul3A_420 = arith.mulf %add3A_408, %add3A_408 : vector<4096x256xf32>
    %dot_general3A_421 = arith.constant dense<0.000000e+00> : vector<1x256xf32>
    %dot_general3A_422 = tpu.matmul %broadcast_in_dim3A_0, %mul3A_420, %dot_general3A_421 {dimension_numbers = #tpu.dot_dimension_numbers<[1], [0], [0], [1], [0, 0, 1, 1], [], []>, transpose_lhs_hint = false} : vector<1x4096xf32>, vector<4096x256xf32>, vector<1x256xf32> -> vector<1x256xf32>
    %mul3A_423 = arith.constant 2.44140625E-4 : f32
    %mul3A_424 = vector.broadcast %mul3A_423 : f32 to vector<1x256xf32>
    %mul3A_425 = arith.mulf %dot_general3A_422, %mul3A_424 : vector<1x256xf32>
    %mul3A_426 = arith.mulf %mul3A_419, %mul3A_419 : vector<1x256xf32>
    %sub3A_427 = arith.subf %mul3A_425, %mul3A_426 : vector<1x256xf32>
    %sub3A_428 = vector.broadcast %mul3A_419 : vector<1x256xf32> to vector<4096x256xf32>
    %sub3A_429 = arith.subf %add3A_408, %sub3A_428 : vector<4096x256xf32>
    %add3A_430 = arith.constant 9.99999974E-6 : f32
    %add3A_431 = vector.broadcast %add3A_430 : f32 to vector<1x256xf32>
    %add3A_432 = arith.addf %sub3A_427, %add3A_431 : vector<1x256xf32>
    %sqrt3A_433 = math.sqrt %add3A_432 : vector<1x256xf32>
    %div3A_434 = vector.broadcast %sqrt3A_433 : vector<1x256xf32> to vector<4096x256xf32>
    %div3A_435 = arith.divf %sub3A_429, %div3A_434 : vector<4096x256xf32>
    %mul3A_436 = vector.broadcast %get3A_411 : vector<1x256xf32> to vector<4096x256xf32>
    %mul3A_437 = arith.mulf %div3A_435, %mul3A_436 : vector<4096x256xf32>
    %add3A_438 = vector.broadcast %get3A_414 : vector<1x256xf32> to vector<4096x256xf32>
    %add3A_439 = arith.addf %mul3A_437, %add3A_438 : vector<4096x256xf32>
    %max3A_440 = arith.constant 0.000000e+00 : f32
    %max3A_441 = vector.broadcast %max3A_440 : f32 to vector<4096x256xf32>
    %max3A_442 = arith.maximumf %add3A_439, %max3A_441 : vector<4096x256xf32>
    %convert_element_type3A_443 = arith.truncf %max3A_442 : vector<4096x256xf32> to vector<4096x256xbf16>
    %swap3A_444 = arith.constant 0 : index
    %swap3A_445 = arith.constant 768 : index
    %swap3A_446 = vector.load %arg16[%swap3A_444, %swap3A_445] : memref<4096x1024xbf16, #tpu.memory_space<vmem>>, vector<4096x256xbf16>
    tpu.vector_store %arg16[%swap3A_444, %swap3A_445], %convert_element_type3A_443 {strides = array<i32>} : memref<4096x1024xbf16, #tpu.memory_space<vmem>>, vector<4096x256xbf16>,
    %get3A_447 = arith.constant 0 : index
    %get3A_448 = arith.constant 0 : index
    %get3A_449 = vector.load %arg16[%get3A_447, %get3A_448] : memref<4096x1024xbf16, #tpu.memory_space<vmem>>, vector<4096x1024xbf16>
    %get3A_450 = arith.constant 0 : index
    %get3A_451 = arith.constant 0 : index
    %get3A_452 = vector.load %arg6[%get3A_450, %get3A_451] : memref<1024x512xbf16, #tpu.memory_space<vmem>>, vector<1024x256xbf16>
    %dot_general3A_453 = arith.constant dense<0.000000e+00> : vector<4096x256xf32>
    %dot_general3A_454 = tpu.matmul %get3A_449, %get3A_452, %dot_general3A_453 {dimension_numbers = #tpu.dot_dimension_numbers<[1], [0], [0], [1], [0, 0, 1, 1], [], []>, transpose_lhs_hint = false} : vector<4096x1024xbf16>, vector<1024x256xbf16>, vector<4096x256xf32> -> vector<4096x256xf32>
    %get3A_455 = arith.constant 0 : index
    %get3A_456 = arith.constant 0 : index
    %get3A_457 = vector.load %arg7[%get3A_455, %get3A_456] : memref<1x512xf32, #tpu.memory_space<vmem>>, vector<1x256xf32>
    %add3A_458 = vector.broadcast %get3A_457 : vector<1x256xf32> to vector<4096x256xf32>
    %add3A_459 = arith.addf %dot_general3A_454, %add3A_458 : vector<4096x256xf32>
    %get3A_460 = arith.constant 0 : index
    %get3A_461 = arith.constant 0 : index
    %get3A_462 = vector.load %arg8[%get3A_460, %get3A_461] : memref<1x512xf32, #tpu.memory_space<vmem>>, vector<1x256xf32>
    %get3A_463 = arith.constant 0 : index
    %get3A_464 = arith.constant 0 : index
    %get3A_465 = vector.load %arg9[%get3A_463, %get3A_464] : memref<1x512xf32, #tpu.memory_space<vmem>>, vector<1x256xf32>
    %dot_general3A_466 = arith.constant dense<0.000000e+00> : vector<1x256xf32>
    %dot_general3A_467 = tpu.matmul %broadcast_in_dim3A_0, %add3A_459, %dot_general3A_466 {dimension_numbers = #tpu.dot_dimension_numbers<[1], [0], [0], [1], [0, 0, 1, 1], [], []>, transpose_lhs_hint = false} : vector<1x4096xf32>, vector<4096x256xf32>, vector<1x256xf32> -> vector<1x256xf32>
    %mul3A_468 = arith.constant 2.44140625E-4 : f32
    %mul3A_469 = vector.broadcast %mul3A_468 : f32 to vector<1x256xf32>
    %mul3A_470 = arith.mulf %dot_general3A_467, %mul3A_469 : vector<1x256xf32>
    %mul3A_471 = arith.mulf %add3A_459, %add3A_459 : vector<4096x256xf32>
    %dot_general3A_472 = arith.constant dense<0.000000e+00> : vector<1x256xf32>
    %dot_general3A_473 = tpu.matmul %broadcast_in_dim3A_0, %mul3A_471, %dot_general3A_472 {dimension_numbers = #tpu.dot_dimension_numbers<[1], [0], [0], [1], [0, 0, 1, 1], [], []>, transpose_lhs_hint = false} : vector<1x4096xf32>, vector<4096x256xf32>, vector<1x256xf32> -> vector<1x256xf32>
    %mul3A_474 = arith.constant 2.44140625E-4 : f32
    %mul3A_475 = vector.broadcast %mul3A_474 : f32 to vector<1x256xf32>
    %mul3A_476 = arith.mulf %dot_general3A_473, %mul3A_475 : vector<1x256xf32>
    %mul3A_477 = arith.mulf %mul3A_470, %mul3A_470 : vector<1x256xf32>
    %sub3A_478 = arith.subf %mul3A_476, %mul3A_477 : vector<1x256xf32>
    %sub3A_479 = vector.broadcast %mul3A_470 : vector<1x256xf32> to vector<4096x256xf32>
    %sub3A_480 = arith.subf %add3A_459, %sub3A_479 : vector<4096x256xf32>
    %add3A_481 = arith.constant 9.99999974E-6 : f32
    %add3A_482 = vector.broadcast %add3A_481 : f32 to vector<1x256xf32>
    %add3A_483 = arith.addf %sub3A_478, %add3A_482 : vector<1x256xf32>
    %sqrt3A_484 = math.sqrt %add3A_483 : vector<1x256xf32>
    %div3A_485 = vector.broadcast %sqrt3A_484 : vector<1x256xf32> to vector<4096x256xf32>
    %div3A_486 = arith.divf %sub3A_480, %div3A_485 : vector<4096x256xf32>
    %mul3A_487 = vector.broadcast %get3A_462 : vector<1x256xf32> to vector<4096x256xf32>
    %mul3A_488 = arith.mulf %div3A_486, %mul3A_487 : vector<4096x256xf32>
    %add3A_489 = vector.broadcast %get3A_465 : vector<1x256xf32> to vector<4096x256xf32>
    %add3A_490 = arith.addf %mul3A_488, %add3A_489 : vector<4096x256xf32>
    %max3A_491 = arith.constant 0.000000e+00 : f32
    %max3A_492 = vector.broadcast %max3A_491 : f32 to vector<4096x256xf32>
    %max3A_493 = arith.maximumf %add3A_490, %max3A_492 : vector<4096x256xf32>
    %convert_element_type3A_494 = arith.truncf %max3A_493 : vector<4096x256xf32> to vector<4096x256xbf16>
    %swap3A_495 = arith.constant 0 : index
    %swap3A_496 = arith.constant 0 : index
    %swap3A_497 = vector.load %arg17[%swap3A_495, %swap3A_496] : memref<4096x512xbf16, #tpu.memory_space<vmem>>, vector<4096x256xbf16>
    tpu.vector_store %arg17[%swap3A_495, %swap3A_496], %convert_element_type3A_494 {strides = array<i32>} : memref<4096x512xbf16, #tpu.memory_space<vmem>>, vector<4096x256xbf16>,
    %get3A_498 = arith.constant 0 : index
    %get3A_499 = arith.constant 0 : index
    %get3A_500 = vector.load %arg16[%get3A_498, %get3A_499] : memref<4096x1024xbf16, #tpu.memory_space<vmem>>, vector<4096x1024xbf16>
    %get3A_501 = arith.constant 0 : index
    %get3A_502 = arith.constant 256 : index
    %get3A_503 = vector.load %arg6[%get3A_501, %get3A_502] : memref<1024x512xbf16, #tpu.memory_space<vmem>>, vector<1024x256xbf16>
    %dot_general3A_504 = arith.constant dense<0.000000e+00> : vector<4096x256xf32>
    %dot_general3A_505 = tpu.matmul %get3A_500, %get3A_503, %dot_general3A_504 {dimension_numbers = #tpu.dot_dimension_numbers<[1], [0], [0], [1], [0, 0, 1, 1], [], []>, transpose_lhs_hint = false} : vector<4096x1024xbf16>, vector<1024x256xbf16>, vector<4096x256xf32> -> vector<4096x256xf32>
    %get3A_506 = arith.constant 0 : index
    %get3A_507 = arith.constant 256 : index
    %get3A_508 = vector.load %arg7[%get3A_506, %get3A_507] : memref<1x512xf32, #tpu.memory_space<vmem>>, vector<1x256xf32>
    %add3A_509 = vector.broadcast %get3A_508 : vector<1x256xf32> to vector<4096x256xf32>
    %add3A_510 = arith.addf %dot_general3A_505, %add3A_509 : vector<4096x256xf32>
    %get3A_511 = arith.constant 0 : index
    %get3A_512 = arith.constant 256 : index
    %get3A_513 = vector.load %arg8[%get3A_511, %get3A_512] : memref<1x512xf32, #tpu.memory_space<vmem>>, vector<1x256xf32>
    %get3A_514 = arith.constant 0 : index
    %get3A_515 = arith.constant 256 : index
    %get3A_516 = vector.load %arg9[%get3A_514, %get3A_515] : memref<1x512xf32, #tpu.memory_space<vmem>>, vector<1x256xf32>
    %dot_general3A_517 = arith.constant dense<0.000000e+00> : vector<1x256xf32>
    %dot_general3A_518 = tpu.matmul %broadcast_in_dim3A_0, %add3A_510, %dot_general3A_517 {dimension_numbers = #tpu.dot_dimension_numbers<[1], [0], [0], [1], [0, 0, 1, 1], [], []>, transpose_lhs_hint = false} : vector<1x4096xf32>, vector<4096x256xf32>, vector<1x256xf32> -> vector<1x256xf32>
    %mul3A_519 = arith.constant 2.44140625E-4 : f32
    %mul3A_520 = vector.broadcast %mul3A_519 : f32 to vector<1x256xf32>
    %mul3A_521 = arith.mulf %dot_general3A_518, %mul3A_520 : vector<1x256xf32>
    %mul3A_522 = arith.mulf %add3A_510, %add3A_510 : vector<4096x256xf32>
    %dot_general3A_523 = arith.constant dense<0.000000e+00> : vector<1x256xf32>
    %dot_general3A_524 = tpu.matmul %broadcast_in_dim3A_0, %mul3A_522, %dot_general3A_523 {dimension_numbers = #tpu.dot_dimension_numbers<[1], [0], [0], [1], [0, 0, 1, 1], [], []>, transpose_lhs_hint = false} : vector<1x4096xf32>, vector<4096x256xf32>, vector<1x256xf32> -> vector<1x256xf32>
    %mul3A_525 = arith.constant 2.44140625E-4 : f32
    %mul3A_526 = vector.broadcast %mul3A_525 : f32 to vector<1x256xf32>
    %mul3A_527 = arith.mulf %dot_general3A_524, %mul3A_526 : vector<1x256xf32>
    %mul3A_528 = arith.mulf %mul3A_521, %mul3A_521 : vector<1x256xf32>
    %sub3A_529 = arith.subf %mul3A_527, %mul3A_528 : vector<1x256xf32>
    %sub3A_530 = vector.broadcast %mul3A_521 : vector<1x256xf32> to vector<4096x256xf32>
    %sub3A_531 = arith.subf %add3A_510, %sub3A_530 : vector<4096x256xf32>
    %add3A_532 = arith.constant 9.99999974E-6 : f32
    %add3A_533 = vector.broadcast %add3A_532 : f32 to vector<1x256xf32>
    %add3A_534 = arith.addf %sub3A_529, %add3A_533 : vector<1x256xf32>
    %sqrt3A_535 = math.sqrt %add3A_534 : vector<1x256xf32>
    %div3A_536 = vector.broadcast %sqrt3A_535 : vector<1x256xf32> to vector<4096x256xf32>
    %div3A_537 = arith.divf %sub3A_531, %div3A_536 : vector<4096x256xf32>
    %mul3A_538 = vector.broadcast %get3A_513 : vector<1x256xf32> to vector<4096x256xf32>
    %mul3A_539 = arith.mulf %div3A_537, %mul3A_538 : vector<4096x256xf32>
    %add3A_540 = vector.broadcast %get3A_516 : vector<1x256xf32> to vector<4096x256xf32>
    %add3A_541 = arith.addf %mul3A_539, %add3A_540 : vector<4096x256xf32>
    %max3A_542 = arith.constant 0.000000e+00 : f32
    %max3A_543 = vector.broadcast %max3A_542 : f32 to vector<4096x256xf32>
    %max3A_544 = arith.maximumf %add3A_541, %max3A_543 : vector<4096x256xf32>
    %convert_element_type3A_545 = arith.truncf %max3A_544 : vector<4096x256xf32> to vector<4096x256xbf16>
    %swap3A_546 = arith.constant 0 : index
    %swap3A_547 = arith.constant 256 : index
    %swap3A_548 = vector.load %arg17[%swap3A_546, %swap3A_547] : memref<4096x512xbf16, #tpu.memory_space<vmem>>, vector<4096x256xbf16>
    tpu.vector_store %arg17[%swap3A_546, %swap3A_547], %convert_element_type3A_545 {strides = array<i32>} : memref<4096x512xbf16, #tpu.memory_space<vmem>>, vector<4096x256xbf16>,
    %get3A_549 = arith.constant 0 : index
    %get3A_550 = arith.constant 0 : index
    %get3A_551 = vector.load %arg17[%get3A_549, %get3A_550] : memref<4096x512xbf16, #tpu.memory_space<vmem>>, vector<4096x512xbf16>
    %get3A_552 = arith.constant 0 : index
    %get3A_553 = arith.constant 0 : index
    %get3A_554 = vector.load %arg10[%get3A_552, %get3A_553] : memref<512x256xbf16, #tpu.memory_space<vmem>>, vector<512x256xbf16>
    %dot_general3A_555 = arith.constant dense<0.000000e+00> : vector<4096x256xf32>
    %dot_general3A_556 = tpu.matmul %get3A_551, %get3A_554, %dot_general3A_555 {dimension_numbers = #tpu.dot_dimension_numbers<[1], [0], [0], [1], [0, 0, 1, 1], [], []>, transpose_lhs_hint = false} : vector<4096x512xbf16>, vector<512x256xbf16>, vector<4096x256xf32> -> vector<4096x256xf32>
    %get3A_557 = arith.constant 0 : index
    %get3A_558 = arith.constant 0 : index
    %get3A_559 = vector.load %arg11[%get3A_557, %get3A_558] : memref<1x256xf32, #tpu.memory_space<vmem>>, vector<1x256xf32>
    %add3A_560 = vector.broadcast %get3A_559 : vector<1x256xf32> to vector<4096x256xf32>
    %add3A_561 = arith.addf %dot_general3A_556, %add3A_560 : vector<4096x256xf32>
    %convert_element_type3A_562 = arith.truncf %add3A_561 : vector<4096x256xf32> to vector<4096x256xbf16>
    %get3A_563 = arith.constant 0 : index
    %get3A_564 = arith.constant 0 : index
    %get3A_565 = vector.load %arg12[%get3A_563, %get3A_564] : memref<256x1xbf16, #tpu.memory_space<vmem>>, vector<256x1xbf16>
    %dot_general3A_566 = arith.constant dense<0.000000e+00> : vector<4096x1xf32>
    %dot_general3A_567 = tpu.matmul %convert_element_type3A_562, %get3A_565, %dot_general3A_566 {dimension_numbers = #tpu.dot_dimension_numbers<[1], [0], [0], [1], [0, 0, 1, 1], [], []>, transpose_lhs_hint = false} : vector<4096x256xbf16>, vector<256x1xbf16>, vector<4096x1xf32> -> vector<4096x1xf32>
    %get3A_568 = arith.constant 0 : index
    %get3A_569 = arith.constant 0 : index
    %get3A_570 = vector.load %arg13[%get3A_568, %get3A_569] : memref<1x1xf32, #tpu.memory_space<vmem>>, vector<1x1xf32>
    %add3A_571 = vector.broadcast %get3A_570 : vector<1x1xf32> to vector<4096x1xf32>
    %add3A_572 = arith.addf %dot_general3A_567, %add3A_571 : vector<4096x1xf32>
    %get3A_573 = arith.constant 0 : index
    %get3A_574 = arith.constant 0 : index
    %get3A_575 = vector.load %arg14[%get3A_573, %get3A_574] : memref<4096x1xf32, #tpu.memory_space<vmem>>, vector<4096x1xf32>
    %add3A_576 = arith.addf %get3A_575, %add3A_572 : vector<4096x1xf32>
    %swap3A_577 = arith.constant 0 : index
    %swap3A_578 = arith.constant 0 : index
    %swap3A_579 = vector.load %arg14[%swap3A_577, %swap3A_578] : memref<4096x1xf32, #tpu.memory_space<vmem>>, vector<4096x1xf32>
    tpu.vector_store %arg14[%swap3A_577, %swap3A_578], %add3A_576 {strides = array<i32>} : memref<4096x1xf32, #tpu.memory_space<vmem>>, vector<4096x1xf32>,
    return
  }
}

</mosaic_0001>

<sc_bundles>
// kernel: gather_offload_async_start.1
scs
__scs_entry_jumppad:
0x0: {  	(pc) =	sbr.rel $0x88, $3  }
0x1: {  	(tag) =	ssettag $0x0;
	lr =	simm.s32 $0x1  }
0x2: {  	[smem:$0x3F92] =	sst lr;
	_ =	strace $0xD0000000  }
0x3: {  	_ = 	snop  }
0x4: {  	_ = 	snop  }
0x5: {  	_ = 	snop  }
0x6: {  	_ = 	snop  }
0x7: {  	_ = 	snop  }
__scs_overlays_trampoline_lowered:
0x8: {  	[smem:$0x3FA1] =	sst s0  }
0x9: {  	[smem:$0x3FA2] =	sst s1  }
0xa: {  	[smem:$0x3FA3] =	sst s2  }
0xb: {  	[smem:$0x3FA4] =	sst s3  }
0xc: {  	[smem:$0x3FA5] =	sst s4  }
0xd: {  	[smem:$0x3FA6] =	sst s5  }
0xe: {  	[smem:$0x3FA7] =	sst s6  }
0xf: {  	[smem:$0x3FA8] =	sst s7  }
0x10: {  	[smem:$0x3FA9] =	sst s8  }
0x11: {  	[smem:$0x3FAA] =	sst s9;
	s0 =	simm.s32 @!p0 $0x0  }
0x12: {  	s1 =	sld [smem:$0x3F90];
	s0 =	simm.s32 @p0 $0x1  }
0x13: {  	[smem:$0x3FAB] =	sst s0;
	s0 =	simm.s32 @!p1 $0x0  }
0x14: {  	s2 =	sld [smem:$0x3F8F];
	s0 =	simm.s32 @p1 $0x1  }
0x15: {  	[smem:$0x3FAC] =	sst s0;
	s0 =	simm.s32 @!p2 $0x0  }
0x16: {  	s3 =	sld [smem:$0x3FDB];
	s0 =	simm.s32 @p2 $0x1  }
0x17: {  	s4 =	simm.s32 $0x1BF5;
	[smem:$0x3FAE] =	sst s0  }
0x18: {  	s0 =	sld [smem:$0x3F91];
	_ =	swait.ge [sflag:s4], $0x0  }
0x19: {  	s7 =	sld [smem:$0x3F92]  }
0x1a: {  	s8 =	sadd.s32 $0xFFFFE003, lr  }
0x1b: {  	s9 =	sadd.s32 $0xFFFFFEF7, lr;
	s5 =	simm.s32 $0xFFFFFFFF;
	p2 =	slt.u32 s8, $0xFFFFF086  }
0x1c: {  	p1 =	slt.u32 s9, $0xF7A;
	s5 =	simm.s32 @!p2 $0x0  }
0x1d: {  	s5 =	simm.s32 @p1 $0x1;
	p0 =	seq.s32 s7, s2  }
0x1e: {  	s7 =	smul.u32 @!p0 $0xF7A, s2;
	p2 =	seq.s32 @!p0 s5, $0x0  }
0x1f: {  	s9 =	smul.u32 $0xF7A, s1;
	s8 =	simm.s32 @!p0 $0x1BF5;
	p2 =	por !p2, p0  }
0x20: {  	[sflag:s8] =	ssyncset.s32 @!p0 $0xFFFFF086;
	s6 =	sadd.s32 @!p0 s3, s7;
	s7 =	simm.s32 @!p0 $0x108  }
0x21: {  	s3 =	sadd.s32 s3, s9;
	s6 =	sadd.s32 @!p0 $0x88, s6;
	s7 =	simm.s32 @p2 $0x1082  }
0x22: {  	[simem:s7], [sflag:s8] =	dma.local @!p0 [hbm:s6], $0xF7A  }
0x23: {  	s9 =	sor.u32 $0xD0000000, s2;
	s6 =	simm.s32 $0x108;
	_ =	swait.ge @!p0 [sflag:s8], $0x0  }
0x24: {  	s3 =	sadd.s32 $0x88, s3;
	s6 =	simm.s32 @!p1 $0x1082;
	[sflag:s4] =	ssyncset.s32 $0xFFFFF086  }
0x25: {  	[simem:s6], [sflag:s4] =	dma.local [hbm:s3], $0xF7A  }
0x26: {  	[smem:$0x3F92] =	sst s1;
	(tag) =	ssettag s2;
	_ =	strace s9  }
0x27: {  	s1 =	sld [smem:$0x3FA2]  }
0x28: {  	s2 =	sld [smem:$0x3FA3]  }
0x29: {  	s4 =	sld [smem:$0x3FA5]  }
0x2a: {  	p0 =	seq.s32 s5, $0x0;
	s5 =	sld [smem:$0x3FA6]  }
0x2b: {  	s6 =	sld [smem:$0x3FA7]  }
0x2c: {  	s7 =	sld [smem:$0x3FA8]  }
0x2d: {  	s3 =	simm.s32 $0x108;
	s8 =	sld [smem:$0x3FA9]  }
0x2e: {  	s3 =	simm.s32 @!p0 $0x1082;
	s9 =	sld [smem:$0x3FAA]  }
0x2f: {  	lr =	sadd.s32 s0, s3;
	s0 =	sld [smem:$0x3FA1]  }
0x30: {  	s3 =	sld [smem:$0x3FA4]  }
0x31: {  	[smem:$0x3FAD] =	sst s10  }
0x32: {  	s10 =	sld [smem:$0x3FAB];
	_ =	sdelay $0x3  }
0x33: {  	p0 =	seq.s32 s10, $0x1;
	s10 =	sld [smem:$0x3FAD];
	_ =	sdelay $0x3  }
0x34: {  	[smem:$0x3FAD] =	sst s10  }
0x35: {  	s10 =	sld [smem:$0x3FAC];
	_ =	sdelay $0x3  }
0x36: {  	p1 =	seq.s32 s10, $0x1;
	s10 =	sld [smem:$0x3FAD];
	_ =	sdelay $0x3  }
0x37: {  	[smem:$0x3FAD] =	sst s10  }
0x38: {  	s10 =	sld [smem:$0x3FAE]  }
0x39: {  	_ = 	snop;
	(pc) =	sbr.ind lr, $3  }
0x3a: {  	_ = 	snop  }
0x3b: {  	_ = 	snop  }
0x3c: {  	p2 =	seq.s32 s10, $0x1;
	s10 =	sld [smem:$0x3FAD]  }
0x3d: {  	_ =	shalt  }
0x3e: {  	_ =	shalt  }
0x3f: {  	_ =	shalt  }
0x40: {  	_ =	shalt  }
0x41: {  	_ =	shalt  }
0x42: {  	_ =	shalt  }
0x43: {  	_ =	shalt  }
0x44: {  	_ =	shalt  }
0x45: {  	_ =	shalt  }
0x46: {  	_ =	shalt  }
0x47: {  	_ =	shalt  }
0x48: {  	_ =	shalt  }
0x49: {  	_ =	shalt  }
0x4a: {  	_ =	shalt  }
0x4b: {  	_ =	shalt  }
0x4c: {  	_ =	shalt  }
0x4d: {  	_ =	shalt  }
0x4e: {  	_ =	shalt  }
0x4f: {  	_ =	shalt  }
0x50: {  	_ =	shalt  }
0x51: {  	_ =	shalt  }
0x52: {  	_ =	shalt  }
0x53: {  	_ =	shalt  }
0x54: {  	_ =	shalt  }
0x55: {  	_ =	shalt  }
0x56: {  	_ =	shalt  }
0x57: {  	_ =	shalt  }
0x58: {  	_ =	shalt  }
0x59: {  	_ =	shalt  }
0x5a: {  	_ =	shalt  }
0x5b: {  	_ =	shalt  }
0x5c: {  	_ =	shalt  }
0x5d: {  	_ =	shalt  }
0x5e: {  	_ =	shalt  }
0x5f: {  	_ =	shalt  }
0x60: {  	_ =	shalt  }
0x61: {  	_ =	shalt  }
0x62: {  	_ =	shalt  }
0x63: {  	_ =	shalt  }
0x64: {  	_ =	shalt  }
0x65: {  	_ =	shalt  }
0x66: {  	_ =	shalt  }
0x67: {  	_ =	shalt  }
0x68: {  	_ =	shalt  }
0x69: {  	_ =	shalt  }
0x6a: {  	_ =	shalt  }
0x6b: {  	_ =	shalt  }
0x6c: {  	_ =	shalt  }
0x6d: {  	_ =	shalt  }
0x6e: {  	_ =	shalt  }
0x6f: {  	_ =	shalt  }
0x70: {  	_ =	shalt  }
0x71: {  	_ =	shalt  }
0x72: {  	_ =	shalt  }
0x73: {  	_ =	shalt  }
0x74: {  	_ =	shalt  }
0x75: {  	_ =	shalt  }
0x76: {  	_ =	shalt  }
0x77: {  	_ =	shalt  }
0x78: {  	_ =	shalt  }
0x79: {  	_ =	shalt  }
0x7a: {  	_ =	shalt  }
0x7b: {  	_ =	shalt  }
0x7c: {  	_ =	shalt  }
0x7d: {  	_ =	shalt  }
0x7e: {  	_ =	shalt  }
0x7f: {  	_ =	shalt  }
0x80: {  	_ =	shalt  }
0x81: {  	_ =	shalt  }
0x82: {  	_ =	shalt  }
0x83: {  	_ =	shalt  }
0x84: {  	_ =	shalt  }
0x85: {  	_ =	shalt  }
0x86: {  	_ =	shalt  }
0x87: {  	_ =	shalt  }
.Lfunc_end0:
.L_simem_size_0:
called_computation.1_lowered:
.L_overlay_start_0:
0x88: {  	s2 =	sld [smem:$0x3FD9]  }
0x89: {  	s3 =	sld [smem:$0x3FFE];
	_ =	sdelay $0x1  }
0x8a: {  	s1 =	srdreg.scid  }
0x8b: {  	s0 =	sand.u32 $0x1, s1  }
0x8c: {  	s16 =	sshll.u32 s0, $0xA;
	s2 =	sadd.s32 s3, s2  }
0x8d: {  	s2 =	sadd.s32 s2, s16  }
0x8e: {  	[smem:$0x3FB9] =	sst s2  }
0x8f: {  	_ = 	snop  }
0x90: {  	(tm) =	ssettm $0x1  }
0x91: {  	s17 =	sld [smem:$0x3FFB];
	_ =	sdelay $0x3  }
0x92: {  	_ =	strace s17  }
0x93: {  	s2 =	sld [smem:$0x3FFC];
	_ =	sdelay $0x3  }
0x94: {  	_ =	strace s2  }
0x95: {  	s2 =	sld [smem:$0x3FFD];
	_ =	sdelay $0x3  }
0x96: {  	_ =	strace s2  }
0x97: {  	_ =	strace $0x8FFFFFFF  }
0x98: {  	s18 =	sld [smem:$0x3FDB];
	_ =	sdelay $0x1  }
0x99: {  	s19 =	simm.s32 $_scs_section_size  }
0x9a: {  	s4 =	simm.s32 $_size__tile_overlayer_lowered;
	s5 =	simm.s32 $_tile_overlayer_lowered  }
0x9b: {  	s22 =	simm.s32 $0x1BFF;
	s21 =	sshll.u32 s5, $0x1;
	s2 =	sadd.s32 s19, s18  }
0x9c: {  	s6 =	simm.s32 $0x0;
	s20 =	sshll.u32 s4, $0x1;
	s4 =	sadd.s32 s21, s2  }
0x9d: {  	[timem:s6], [sflag:s22] =	dma.local [hbm:s4], s20  }
0x9e: {  	_ =	swait.ge [sflag:s22], s20  }
0x9f: {  	s3 =	ssub.s32 $0x0, s20;
	[sflag:s22] =	ssyncset.done $0x0  }
0xa0: {  	[sflag:s22] =	ssyncadd.s32 s3;
	_ =	sdelay $0x1  }
0xa1: {  	s23 =	simm.s32 $0x1B8B  }
0xa2: {  	_ =	swait.ge [sflag:s23], $0x1  }
0xa3: {  	[sflag:s23] =	ssyncset.done $0x0  }
0xa4: {  	s25 =	simm.s32 $0x1B8E;
	s24 =	sld [smem:$0x3FFE];
	[sflag:s23] =	ssyncadd.s32 $0xFFFFFFFF  }
0xa5: {  	s26 =	simm.s32 $execute0_lowered;
	[smem:$0x3FD2] =	sst s25  }
0xa6: {  	s4 =	sshll.u32 s26, $0x1;
	_ =	strace $0x80000046;
	[dreg:$0x1] =	wrdreg $0xFFFFFFFF  }
0xa7: {  	s28 =	simm.s32 $_size_execute0_lowered;
	s2 =	sadd.s32 s2, s4;
	[dreg:$0x0] =	wrdreg $0x0  }
0xa8: {  	s4 =	sshll.u32 s28, $0x1;
	[dreg:$0x2] =	wrdreg s2  }
0xa9: {  	[dreg:$0x3] =	wrdreg s4  }
0xaa: {  	[dreg:$0x4] =	wrdreg $0xC0  }
0xab: {  	_ =	task [dreg:s6], $0x5FFFF  }
0xac: {  	[dreg:$0x1] =	wrdreg $0xFFFFFFFF  }
0xad: {  	[dreg:$0x0] =	wrdreg $0x60  }
0xae: {  	[dreg:$0x2] =	wrdreg s24  }
0xaf: {  	[dreg:$0x3] =	wrdreg $0xA  }
0xb0: {  	_ =	task.clear_ibuf [dreg:s6], $0x4FFFF;
	_ =	strace $0x90000046  }
0xb1: {  	s29 =	simm.s32 $0xA;
	_ =	strace $0x80000048  }
0xb2: {  	_ =	swait.ge [sflag:s29], $0x1  }
0xb3: {  	[sflag:s29] =	ssyncadd.s32 $0xFFFFFFFF  }
0xb4: {  	_ =	strace $0x90000048  }
0xb5: {  	_ =	sfence  }
0xb6: {  	s30 =	sld [smem:$0x0];
	_ =	sdelay $0x2  }
0xb7: {  	s31 =	sshll.u32 s1, $0xD;
	s1 =	sshrl.u32 s1, $0x2  }
0xb8: {  	s3 =	sand.u32 $0x4000, s31;
	s1 =	sadd.s32 s1, s30  }
0xb9: {  	s0 =	sor.u32 s3, s0;
	s1 =	sshll.u32 s1, $0x11  }
0xba: {  	s0 =	sor.u32 s1, s0  }
0xbb: {  	s0 =	sadd.s32 $0x8F2B, s0  }
0xbc: {  	[sflag:s0] =	ssyncadd.remote.s32 $0x1  }
0xbd: {  	_ =	sfence.sel $0xFFFF  }
0xbe: {  	[dreg:$0x0] =	wrdreg $0xFFFFFFFF;
	(pc) =	sbr.abs _section_cstart, $3  }
0xbf: {  	[dreg:$0x1] =	wrdreg $0xFFFFFFFF  }
0xc0: {  	_ =	task.clear_ibuf [dreg:s6], $0x2FFFF;
	_ =	strace $0x9FFFFFFF  }
0xc1: {  	(tm) =	ssettm $0x7FFFFFFF  }
tec
execute0_lowered:
.L_overlay_start_1:
0x0: {  	(tag) =	ssettag $0x1  }
0x1: {  	s0 =	srdreg.scid;
	s5 =	rddreg [dreg:$0x0]  }
0x2: {  	s1 =	stileid.u32;
	s6 =	simm.s32 $0x1;
	s9 =	simm.s32 $0x1  }
0x3: {  	s10 =	simm.s32 $0x3;
	s13 =	simm.s32 $0x0;
	s2 =	sshll.u32 s0, $0xB  }
0x4: {  	s12 =	simm.s32 $0x0;
	s3 =	sshll.u32 s1, $0xC;
	s2 =	sand.u32 $0x800, s2  }
0x5: {  	s0 =	rddreg [dreg:$0x1];
	_ =	strace $0x80000047;
	s2 =	sor.u32 s3, s2  }
0x6: {  	s4 =	sadd.s32 $0x1A00, s5;
	[sflag:s6] =	ssyncpa.u1 $0x0;
	s8 =	ssub.s32 $0x1A000, s2  }
.Ltmp0:
0x7: {  	s3 =	sadd.s32 $0x4E00, s5;
	s7 =	sand.u32 $0xF800, s8;
	(pc) =	sbr.rel .LBB2_1-.Ltmp0, $4  }
0x8: {  	s5 =	sadd.s32 $0x54400, s5;
	s11 =	smov.u32 s2;
	p0 =	sne.s32 s7, $0x0  }
0x9: {  	s8 =	sshrl.u32 s8, $0x10;
	s7 =	simm.s32 $0x2;
	s9 =	simm.s32 @!p0 $0x0  }
0xa: {  	[sflag:s7] =	ssyncpa.u1 $0x0;
	p0 =	por $0x0, $0x0;
	s8 =	sadd.s32 s9, s8  }
0xb: {  	vm0 =	vmmov $0xffff;
	[sflag:s10] =	ssyncpa.u1 $0x0;
	s10 =	simm.s32 $0x0;
	s9 =	sadd.s32 $0x1, s8  }
.LBB2_4:
0xc: {  	v2 =	vnsel vm1, $0x0, v2  }
0xd: {  	vm1 =	vgt.s32 v0, $0x0;
	v2 =	vmin.u32 v2, $0x27AC3F  }
0xe: {  	v0 =	vnsel vm1, $0x0, v0  }
0xf: {  	v0 =	vmin.u32 v0, $0x27AC3F  }
0x10: {  	[tilespmem:s15], [sflag:$0x1] =	stream.indirect_vreg.gather [hbm4b:s3+s10], $0x1, v1, vm0, $0x4038;
	[tilespmem:$0x2000] =	vst v63  }
0x11: {  	(ifvalue) =	ssetifvalue $0x7FFFFFFF  }
0x12: {  	[tilespmem:s16], [sflag:$0x1] =	stream.indirect_vreg.gather [hbm4b:s3+s10], $0x1, v2, vm0, $0x4038;
	[tilespmem:$0x2000] =	vst v63  }
0x13: {  	s29 =	sadd.s32 $0x10, s16;
	(ifvalue) =	ssetifvalue $0x7FFFFFFF  }
0x14: {  	[tilespmem:s29], [sflag:$0x1] =	stream.indirect_vreg.gather [hbm4b:s3+s10], $0x1, v0, vm0, $0x4038;
	[tilespmem:$0x2000] =	vst v63  }
0x15: {  	_ =	swait.ge [sflag:s6], $0x800  }
0x16: {  	s30 =	sshrl.u32 s13, $0x3;
	[sflag:s6] =	ssyncset.done $0x0  }
0x17: {  	s31 =	sand.u32 $0x7, s13;
	s15 =	sadd.s32 s5, s30;
	[sflag:s6] =	ssyncadd.s32 $0xFFFFF800  }
0x18: {  	[hbm4b:s15+s31] =	stream.linear.scatter [tilespmem:s14], [sflag:$0x3], $0x800, $0x38;
	[tilespmem:$0x2000] =	vst v63  }
.LBB2_5:
0x19: {  	s15 =	sadd.s32 $0x10000, s11  }
0x1a: {  	p2 =	sgt.s32 s15, $0x19FFF  }
0x1b: {  	s15 =	smov.u32 @p2 s2;
	p2 =	sne.s32 s12, s9  }
.Ltmp1:
0x1c: {  	p1 =	slt.u32 s12, $0x2;
	(pc) =	sbr.rel @!p2 .LBB2_6-.Ltmp1, $4  }
0x1d: {  	s14 =	simm.s32 @!p1 $0x3  }
0x1e: {  	s16 =	sadd.s32 $0x1, s12;
	_ =	swait.ge @!p1 [sflag:s14], $0x800  }
0x1f: {  	s13 =	smov.u32 s11;
	p0 =	por !p0, !p0;
	[sflag:s14] =	ssyncset.done @!p1 $0x0  }
0x20: {  	s12 =	smov.u32 s16;
	s11 =	smov.u32 s15;
	[sflag:s14] =	ssyncadd.s32 @!p1 $0xFFFFF800  }
.LBB2_1:
0x21: {  	p1 =	sge.u32 s12, s8  }
0x22: {  	s14 =	sxor.u32 @!p1 $0xFFFFFFFF, s12  }
0x23: {  	s31 =	sadd.s32 $0xFFFFFFFF, s12;
	s15 =	sshrl.u32 @!p1 s11, $0x3;
	s14 =	sshll.u32 @!p1 s14, $0xB  }
0x24: {  	s16 =	sand.u32 @!p1 $0x7, s11;
	s15 =	sadd.s32 @!p1 s4, s15;
	s14 =	sand.u32 @!p1 $0x800, s14  }
0x25: {  	[tilespmem:s14], [sflag:$0x2] =	stream.linear.gather @!p1 [hbm4b:s15+s16], $0x800, $0x38;
	[tilespmem:$0x2000] =	vst v63  }
0x26: {  	p1 =	sge.u32 s31, s8  }
.Ltmp2:
0x27: {  	_ = 	snop;
	(pc) =	sbr.rel @p1 .LBB2_5-.Ltmp2, $1  }
0x28: {  	_ =	sdelay $0x3  }
0x29: {  	s14 =	simm.s32 $0x1  }
0x2a: {  	_ =	swait.ge [sflag:s7], $0x800;
	s14 =	simm.s32 @!p0 $0x0  }
0x2b: {  	[sflag:s7] =	ssyncset.done $0x0;
	s14 =	sshll.u32 s14, $0xB  }
0x2c: {  	[sflag:s7] =	ssyncadd.s32 $0xFFFFF800;
	(ifvalue) =	ssetifvalue $0x7FFFFFFF;
	v0 =	vld.msk [tilespmem:s14+$0x0 ss:$0x1], $0xffff;
	_ =	sdelay $0x4  }
0x2d: {  	s15 =	sadd.s32 $0x10, s14;
	vm1 =	vgt.s32 v0, $0x0  }
0x2e: {  	v2 =	vld.msk [tilespmem:s15+$0x0 ss:$0x1], $0xffff;
	v1 =	vnsel vm1, $0x0, v0  }
0x2f: {  	v1 =	vmin.u32 v1, $0x27AC3F;
	_ =	sdelay $0x1  }
0x30: {  	s16 =	sshll.u32 s12, $0xB;
	s18 =	simm.s32 $0x20  }
0x31: {  	s16 =	sand.u32 $0x800, s16;
	s17 =	sadd.s32 $0x10, s15;
	s15 =	sor.u32 $0x1000, s14  }
0x32: {  	s14 =	sor.u32 $0x1000, s16;
	s16 =	sadd.s32 $0x10, s15;
	v0 =	vld.msk [tilespmem:s17+$0x0 ss:$0x1], $0xffff;
	vm1 =	vgt.s32 v2, $0x0;
	(ifvalue) =	ssetifvalue $0x7FFFFFFF  }
.LBB2_3:
0x33: {  	[tilespmem:s15], [sflag:$0x1] =	stream.indirect_vreg.gather [hbm4b:s3+s10], $0x1, v1, vm0, $0x4038;
	[tilespmem:$0x2000] =	vst v63  }
0x34: {  	s18 =	sadd.s32 $0x10, s18  }
0x35: {  	v2 =	vnsel vm1, $0x0, v2;
	p1 =	slt.u32 s18, $0x7F0  }
.Ltmp3:
0x36: {  	s15 =	smov.u32 s16;
	v1 =	vmin.u32 v2, $0x27AC3F;
	(pc) =	sbr.rel @p1 .LBB2_3-.Ltmp3, $3  }
0x37: {  	_ =	sdelay $0x1  }
0x38: {  	s17 =	sadd.s32 $0x10, s17  }
0x39: {  	vm1 =	vgt.s32 v0, $0x0;
	s16 =	sadd.s32 $0x10, s16;
	v2 =	vmov v0;
	(ifvalue) =	ssetifvalue $0x7FFFFFFF;
	v0 =	vld.msk [tilespmem:s17+$0x0 ss:$0x1], $0xffff  }
.Ltmp4:
0x3a: {  	_ = 	snop;
	(pc) =	sbr.rel .LBB2_4-.Ltmp4, $1  }
0x3b: {  	_ =	sdelay $0x3  }
.LBB2_6:
0x3c: {  	_ =	sfence.sel $0x180000  }
0x3d: {  	s2 =	simm.s32 $0x2;
	[bflag:$0x0] =	sbarrier.arrive $0xFFFF  }
0x3e: {  	s30 =	simm.s32 $0x3;
	[sflag:s2] =	ssyncpa.u1 $0x1  }
0x3f: {  	s31 =	simm.s32 $0x1;
	[sflag:s30] =	ssyncpa.u1 $0x1  }
0x40: {  	[sflag:s31] =	ssyncpa.u1 $0x1  }
0x41: {  	p0 =	sne.s32 s1, $0x0;
	_ =	strace $0x90000047  }
0x42: {  	s0 =	sadd.s32 @!p0 $0x100000, s0;
	[bflag:$0x2] =	sbarrier.arrive $0xFFFF  }
0x43: {  	[sflag:s0] =	ssyncadd.tile.s32 @!p0 $0x1;
	_ =	shalt  }
.Lfunc_end2:
_tile_overlayer_lowered:
.L_overlay_start_2:
0x44: {  	(tag) =	ssettag $0x2  }
0x45: {  	s0 =	rddreg [dreg:$0x0];
	s2 =	stileid.u32  }
0x46: {  	s1 =	rddreg [dreg:$0x1];
	p0 =	sne.s32 s2, $0x0  }
0x47: {  	s3 =	rddreg [dreg:$0x2];
	[bflag:$0x3] =	sbarrier.arrive $0xFFFF;
	s2 =	simm.s32 @!p0 $0x1C01  }
0x48: {  	[timem:s3], [sflag:s2] =	dma.local @!p0 [hbm:s0], s1  }
0x49: {  	s0 =	simm.s32 @!p0 $0x1  }
0x4a: {  	_ =	swait.ge @!p0 [sflag:s0], s1  }
0x4b: {  	s1 =	ssub.s32 @!p0 $0x0, s1;
	[sflag:s0] =	ssyncset.done @!p0 $0x0  }
0x4c: {  	[sflag:s0] =	ssyncadd.s32 @!p0 s1  }
0x4d: {  	[bflag:$0x3] =	sbarrier.arrive $0xFFFF  }
0x4e: {  	_ =	shalt  }

// kernel: gather_offload_async_start
scs
__scs_entry_jumppad:
0x0: {  	(pc) =	sbr.rel $0x88, $3  }
0x1: {  	(tag) =	ssettag $0x0;
	lr =	simm.s32 $0x1  }
0x2: {  	[smem:$0x3F92] =	sst lr;
	_ =	strace $0xD0000000  }
0x3: {  	_ = 	snop  }
0x4: {  	_ = 	snop  }
0x5: {  	_ = 	snop  }
0x6: {  	_ = 	snop  }
0x7: {  	_ = 	snop  }
__scs_overlays_trampoline_lowered:
0x8: {  	[smem:$0x3FA1] =	sst s0  }
0x9: {  	[smem:$0x3FA2] =	sst s1  }
0xa: {  	[smem:$0x3FA3] =	sst s2  }
0xb: {  	[smem:$0x3FA4] =	sst s3  }
0xc: {  	[smem:$0x3FA5] =	sst s4  }
0xd: {  	[smem:$0x3FA6] =	sst s5  }
0xe: {  	[smem:$0x3FA7] =	sst s6  }
0xf: {  	[smem:$0x3FA8] =	sst s7  }
0x10: {  	[smem:$0x3FA9] =	sst s8  }
0x11: {  	[smem:$0x3FAA] =	sst s9;
	s0 =	simm.s32 @!p0 $0x0  }
0x12: {  	s1 =	sld [smem:$0x3F90];
	s0 =	simm.s32 @p0 $0x1  }
0x13: {  	[smem:$0x3FAB] =	sst s0;
	s0 =	simm.s32 @!p1 $0x0  }
0x14: {  	s2 =	sld [smem:$0x3F8F];
	s0 =	simm.s32 @p1 $0x1  }
0x15: {  	[smem:$0x3FAC] =	sst s0;
	s0 =	simm.s32 @!p2 $0x0  }
0x16: {  	s3 =	sld [smem:$0x3FDB];
	s0 =	simm.s32 @p2 $0x1  }
0x17: {  	s4 =	simm.s32 $0x1BF5;
	[smem:$0x3FAE] =	sst s0  }
0x18: {  	s0 =	sld [smem:$0x3F91];
	_ =	swait.ge [sflag:s4], $0x0  }
0x19: {  	s7 =	sld [smem:$0x3F92]  }
0x1a: {  	s8 =	sadd.s32 $0xFFFFE003, lr  }
0x1b: {  	s9 =	sadd.s32 $0xFFFFFEF7, lr;
	s5 =	simm.s32 $0xFFFFFFFF;
	p2 =	slt.u32 s8, $0xFFFFF086  }
0x1c: {  	p1 =	slt.u32 s9, $0xF7A;
	s5 =	simm.s32 @!p2 $0x0  }
0x1d: {  	s5 =	simm.s32 @p1 $0x1;
	p0 =	seq.s32 s7, s2  }
0x1e: {  	s7 =	smul.u32 @!p0 $0xF7A, s2;
	p2 =	seq.s32 @!p0 s5, $0x0  }
0x1f: {  	s9 =	smul.u32 $0xF7A, s1;
	s8 =	simm.s32 @!p0 $0x1BF5;
	p2 =	por !p2, p0  }
0x20: {  	[sflag:s8] =	ssyncset.s32 @!p0 $0xFFFFF086;
	s6 =	sadd.s32 @!p0 s3, s7;
	s7 =	simm.s32 @!p0 $0x108  }
0x21: {  	s3 =	sadd.s32 s3, s9;
	s6 =	sadd.s32 @!p0 $0x88, s6;
	s7 =	simm.s32 @p2 $0x1082  }
0x22: {  	[simem:s7], [sflag:s8] =	dma.local @!p0 [hbm:s6], $0xF7A  }
0x23: {  	s9 =	sor.u32 $0xD0000000, s2;
	s6 =	simm.s32 $0x108;
	_ =	swait.ge @!p0 [sflag:s8], $0x0  }
0x24: {  	s3 =	sadd.s32 $0x88, s3;
	s6 =	simm.s32 @!p1 $0x1082;
	[sflag:s4] =	ssyncset.s32 $0xFFFFF086  }
0x25: {  	[simem:s6], [sflag:s4] =	dma.local [hbm:s3], $0xF7A  }
0x26: {  	[smem:$0x3F92] =	sst s1;
	(tag) =	ssettag s2;
	_ =	strace s9  }
0x27: {  	s1 =	sld [smem:$0x3FA2]  }
0x28: {  	s2 =	sld [smem:$0x3FA3]  }
0x29: {  	s4 =	sld [smem:$0x3FA5]  }
0x2a: {  	p0 =	seq.s32 s5, $0x0;
	s5 =	sld [smem:$0x3FA6]  }
0x2b: {  	s6 =	sld [smem:$0x3FA7]  }
0x2c: {  	s7 =	sld [smem:$0x3FA8]  }
0x2d: {  	s3 =	simm.s32 $0x108;
	s8 =	sld [smem:$0x3FA9]  }
0x2e: {  	s3 =	simm.s32 @!p0 $0x1082;
	s9 =	sld [smem:$0x3FAA]  }
0x2f: {  	lr =	sadd.s32 s0, s3;
	s0 =	sld [smem:$0x3FA1]  }
0x30: {  	s3 =	sld [smem:$0x3FA4]  }
0x31: {  	[smem:$0x3FAD] =	sst s10  }
0x32: {  	s10 =	sld [smem:$0x3FAB];
	_ =	sdelay $0x3  }
0x33: {  	p0 =	seq.s32 s10, $0x1;
	s10 =	sld [smem:$0x3FAD];
	_ =	sdelay $0x3  }
0x34: {  	[smem:$0x3FAD] =	sst s10  }
0x35: {  	s10 =	sld [smem:$0x3FAC];
	_ =	sdelay $0x3  }
0x36: {  	p1 =	seq.s32 s10, $0x1;
	s10 =	sld [smem:$0x3FAD];
	_ =	sdelay $0x3  }
0x37: {  	[smem:$0x3FAD] =	sst s10  }
0x38: {  	s10 =	sld [smem:$0x3FAE]  }
0x39: {  	_ = 	snop;
	(pc) =	sbr.ind lr, $3  }
0x3a: {  	_ = 	snop  }
0x3b: {  	_ = 	snop  }
0x3c: {  	p2 =	seq.s32 s10, $0x1;
	s10 =	sld [smem:$0x3FAD]  }
0x3d: {  	_ =	shalt  }
0x3e: {  	_ =	shalt  }
0x3f: {  	_ =	shalt  }
0x40: {  	_ =	shalt  }
0x41: {  	_ =	shalt  }
0x42: {  	_ =	shalt  }
0x43: {  	_ =	shalt  }
0x44: {  	_ =	shalt  }
0x45: {  	_ =	shalt  }
0x46: {  	_ =	shalt  }
0x47: {  	_ =	shalt  }
0x48: {  	_ =	shalt  }
0x49: {  	_ =	shalt  }
0x4a: {  	_ =	shalt  }
0x4b: {  	_ =	shalt  }
0x4c: {  	_ =	shalt  }
0x4d: {  	_ =	shalt  }
0x4e: {  	_ =	shalt  }
0x4f: {  	_ =	shalt  }
0x50: {  	_ =	shalt  }
0x51: {  	_ =	shalt  }
0x52: {  	_ =	shalt  }
0x53: {  	_ =	shalt  }
0x54: {  	_ =	shalt  }
0x55: {  	_ =	shalt  }
0x56: {  	_ =	shalt  }
0x57: {  	_ =	shalt  }
0x58: {  	_ =	shalt  }
0x59: {  	_ =	shalt  }
0x5a: {  	_ =	shalt  }
0x5b: {  	_ =	shalt  }
0x5c: {  	_ =	shalt  }
0x5d: {  	_ =	shalt  }
0x5e: {  	_ =	shalt  }
0x5f: {  	_ =	shalt  }
0x60: {  	_ =	shalt  }
0x61: {  	_ =	shalt  }
0x62: {  	_ =	shalt  }
0x63: {  	_ =	shalt  }
0x64: {  	_ =	shalt  }
0x65: {  	_ =	shalt  }
0x66: {  	_ =	shalt  }
0x67: {  	_ =	shalt  }
0x68: {  	_ =	shalt  }
0x69: {  	_ =	shalt  }
0x6a: {  	_ =	shalt  }
0x6b: {  	_ =	shalt  }
0x6c: {  	_ =	shalt  }
0x6d: {  	_ =	shalt  }
0x6e: {  	_ =	shalt  }
0x6f: {  	_ =	shalt  }
0x70: {  	_ =	shalt  }
0x71: {  	_ =	shalt  }
0x72: {  	_ =	shalt  }
0x73: {  	_ =	shalt  }
0x74: {  	_ =	shalt  }
0x75: {  	_ =	shalt  }
0x76: {  	_ =	shalt  }
0x77: {  	_ =	shalt  }
0x78: {  	_ =	shalt  }
0x79: {  	_ =	shalt  }
0x7a: {  	_ =	shalt  }
0x7b: {  	_ =	shalt  }
0x7c: {  	_ =	shalt  }
0x7d: {  	_ =	shalt  }
0x7e: {  	_ =	shalt  }
0x7f: {  	_ =	shalt  }
0x80: {  	_ =	shalt  }
0x81: {  	_ =	shalt  }
0x82: {  	_ =	shalt  }
0x83: {  	_ =	shalt  }
0x84: {  	_ =	shalt  }
0x85: {  	_ =	shalt  }
0x86: {  	_ =	shalt  }
0x87: {  	_ =	shalt  }
.Lfunc_end0:
.L_simem_size_0:
called_computation_lowered:
.L_overlay_start_0:
0x88: {  	s2 =	sld [smem:$0x3FD9]  }
0x89: {  	s3 =	sld [smem:$0x3FFE];
	_ =	sdelay $0x1  }
0x8a: {  	s1 =	srdreg.scid  }
0x8b: {  	s0 =	sand.u32 $0x1, s1  }
0x8c: {  	s17 =	sshll.u32 s0, $0xA;
	s2 =	sadd.s32 s3, s2  }
0x8d: {  	s2 =	sadd.s32 s2, s17  }
0x8e: {  	[smem:$0x3FB9] =	sst s2  }
0x8f: {  	_ = 	snop  }
0x90: {  	s18 =	sld [smem:$0x3FC8];
	(tm) =	ssettm $0x1  }
0x91: {  	s19 =	sld [smem:$0x3FFB];
	_ =	sdelay $0x3  }
0x92: {  	_ =	strace s19  }
0x93: {  	s2 =	sld [smem:$0x3FFC];
	_ =	sdelay $0x3  }
0x94: {  	_ =	strace s2  }
0x95: {  	s2 =	sld [smem:$0x3FFD];
	_ =	sdelay $0x3  }
0x96: {  	_ =	strace s2  }
0x97: {  	_ =	strace $0x8FFFFFFF  }
0x98: {  	s20 =	sld [smem:$0x3FDB];
	_ =	sdelay $0x1  }
0x99: {  	s4 =	simm.s32 $_scs_section_size  }
0x9a: {  	s5 =	simm.s32 $_size__tile_overlayer_lowered;
	s6 =	simm.s32 $_tile_overlayer_lowered  }
0x9b: {  	s7 =	simm.s32 $0x1BFF;
	s21 =	sshll.u32 s6, $0x1;
	s4 =	sadd.s32 s4, s20  }
0x9c: {  	s22 =	simm.s32 $0x0;
	s5 =	sshll.u32 s5, $0x1;
	s6 =	sadd.s32 s21, s4  }
0x9d: {  	[timem:s22], [sflag:s7] =	dma.local [hbm:s6], s5  }
0x9e: {  	_ =	swait.ge [sflag:s7], s5  }
0x9f: {  	s5 =	ssub.s32 $0x0, s5;
	[sflag:s7] =	ssyncset.done $0x0  }
0xa0: {  	[sflag:s7] =	ssyncadd.s32 s5;
	_ =	sdelay $0x1  }
0xa1: {  	s23 =	simm.s32 $0x1B8B  }
0xa2: {  	_ =	swait.ge [sflag:s23], $0x1  }
0xa3: {  	[sflag:s23] =	ssyncset.done $0x0  }
0xa4: {  	[sflag:s23] =	ssyncadd.s32 $0xFFFFFFFF  }
0xa5: {  	s5 =	sld [smem:$0x0]  }
0xa6: {  	s6 =	sand.u32 $0xFFFFFFFE, s1  }
0xa7: {  	p0 =	sne.s32 s1, s6  }
0xa8: {  	s6 =	sshll.u32 @p0 s6, $0xE  }
0xa9: {  	s6 =	sadd.s32 @p0 $0x11B8D, s6;
	s7 =	sshll.u32 @p0 s5, $0x11  }
0xaa: {  	s6 =	sor.u32 @p0 s7, s6  }
0xab: {  	[sflag:s6] =	ssyncadd.remote.s32 @p0 $0x1;
	_ =	sdelay $0x1  }
0xac: {  	s6 =	simm.s32 @p0 $0x1B8D  }
0xad: {  	_ =	swait.eq @p0 [sflag:s6], $0x1  }
0xae: {  	[sflag:s6] =	ssyncadd.s32 @p0 $0xFFFFFFFF  }
0xaf: {  	s7 =	sshll.u32 @!p0 s1, $0xE  }
0xb0: {  	s7 =	sor.u32 @!p0 $0x4000, s7;
	s6 =	simm.s32 @!p0 $0x1B8D  }
0xb1: {  	s5 =	sshll.u32 @!p0 s5, $0x11;
	s7 =	sadd.s32 @!p0 $0x11B8D, s7;
	_ =	swait.eq @!p0 [sflag:s6], $0x1  }
0xb2: {  	s5 =	sor.u32 @!p0 s5, s7;
	[sflag:s6] =	ssyncadd.s32 @!p0 $0xFFFFFFFF  }
0xb3: {  	s25 =	simm.s32 $0x1B8E;
	s24 =	sld [smem:$0x3FFE];
	[sflag:s5] =	ssyncadd.remote.s32 @!p0 $0x1  }
0xb4: {  	s26 =	simm.s32 $execute0_lowered;
	[smem:$0x3FD2] =	sst s25  }
0xb5: {  	s6 =	sshll.u32 s26, $0x1;
	_ =	strace $0x80000049;
	[dreg:$0x1] =	wrdreg $0xFFFFFFFF  }
0xb6: {  	s28 =	simm.s32 $_size_execute0_lowered;
	s4 =	sadd.s32 s4, s6;
	[dreg:$0x0] =	wrdreg $0x0  }
0xb7: {  	s6 =	sshll.u32 s28, $0x1;
	[dreg:$0x2] =	wrdreg s4  }
0xb8: {  	[dreg:$0x3] =	wrdreg s6  }
0xb9: {  	[dreg:$0x4] =	wrdreg $0xC0  }
0xba: {  	_ =	task [dreg:s22], $0x5FFFF  }
0xbb: {  	[dreg:$0x1] =	wrdreg $0xFFFFFFFF  }
0xbc: {  	[dreg:$0x0] =	wrdreg $0x60  }
0xbd: {  	[dreg:$0x2] =	wrdreg s18  }
0xbe: {  	[dreg:$0x3] =	wrdreg s24  }
0xbf: {  	[dreg:$0x4] =	wrdreg $0x9  }
0xc0: {  	_ =	task.clear_ibuf [dreg:s22], $0x5FFFF;
	_ =	strace $0x90000049  }
0xc1: {  	s29 =	simm.s32 $0x9;
	_ =	strace $0x8000004B  }
0xc2: {  	_ =	swait.ge [sflag:s29], $0x1  }
0xc3: {  	[sflag:s29] =	ssyncadd.s32 $0xFFFFFFFF  }
0xc4: {  	_ =	strace $0x9000004B  }
0xc5: {  	_ =	sfence  }
0xc6: {  	s30 =	sld [smem:$0x0];
	_ =	sdelay $0x2  }
0xc7: {  	s31 =	sshll.u32 s1, $0xD;
	s1 =	sshrl.u32 s1, $0x2  }
0xc8: {  	s4 =	sand.u32 $0x4000, s31;
	s1 =	sadd.s32 s1, s30  }
0xc9: {  	s0 =	sor.u32 s4, s0;
	s1 =	sshll.u32 s1, $0x11  }
0xca: {  	s0 =	sor.u32 s1, s0  }
0xcb: {  	s0 =	sadd.s32 $0x8F2B, s0  }
0xcc: {  	[sflag:s0] =	ssyncadd.remote.s32 $0x1  }
0xcd: {  	_ =	sfence.sel $0xFFFF  }
0xce: {  	[dreg:$0x0] =	wrdreg $0xFFFFFFFF;
	(pc) =	sbr.abs _section_cstart, $3  }
0xcf: {  	[dreg:$0x1] =	wrdreg $0xFFFFFFFF  }
0xd0: {  	_ =	task.clear_ibuf [dreg:s22], $0x2FFFF;
	_ =	strace $0x9FFFFFFF  }
0xd1: {  	(tm) =	ssettm $0x7FFFFFFF  }
tec
execute0_lowered:
.L_overlay_start_1:
0x0: {  	(tag) =	ssettag $0x1  }
0x1: {  	s0 =	stileid.u32;
	s1 =	srdreg.scid  }
0x2: {  	s1 =	sand.u32 $0x1, s1;
	s2 =	sshll.u32 s0, $0x1  }
0x3: {  	s1 =	sor.u32 s2, s1  }
0x4: {  	s3 =	rddreg [dreg:$0x0];
	s2 =	smul.u32 $0x680, s1  }
0x5: {  	s11 =	rddreg [dreg:$0x1]  }
0x6: {  	s4 =	simm.s32 $0x1;
	s5 =	simm.s32 $0x2;
	s7 =	ssub.s32 $0x1A000, s2  }
0x7: {  	s10 =	simm.s32 $0x3;
	s13 =	simm.s32 $0x0;
	s8 =	smulhi.u32 $0x13B14, s7  }
0x8: {  	s16 =	simm.s32 $0x0;
	s1 =	rddreg [dreg:$0x2];
	_ =	strace $0x8000004A  }
0x9: {  	s15 =	simm.s32 $0x0;
	[sflag:s4] =	ssyncpa.u1 $0x0;
	s9 =	smul.u32 $0xD000, s8  }
.Ltmp0:
0xa: {  	s6 =	sadd.s32 $0x1A00, s11;
	[sflag:s5] =	ssyncpa.u1 $0x0;
	(pc) =	sbr.rel .LBB2_1-.Ltmp0, $4  }
0xb: {  	s14 =	smov.u32 s2;
	p0 =	sne.s32 s7, s9;
	s9 =	simm.s32 $0x1  }
0xc: {  	[sflag:s10] =	ssyncpa.u1 $0x0;
	s10 =	sadd.s32 $0x8B800, s11;
	s9 =	simm.s32 @!p0 $0x0  }
0xd: {  	s7 =	sadd.s32 $0x57800, s11;
	p0 =	por $0x0, $0x0;
	s8 =	sadd.s32 s9, s8  }
0xe: {  	vm0 =	vmmov $0xffff;
	v0 =	vlaneseq.u32;
	s9 =	sadd.s32 $0x71800, s11;
	s11 =	sadd.s32 $0xA5800, s11;
	s12 =	sadd.s32 $0x1, s8  }
.LBB2_4:
0xf: {  	_ =	sdelay $0x1  }
0x10: {  	(ifvalue) =	ssetifvalue $0x7FFFFFFF  }
0x11: {  	s19 =	sshll.u32 s16, $0x3;
	(ifvalue) =	ssetifvalue $0x7FFFFFFF  }
0x12: {  	[tilespmem:s25], [sflag:$0x1] =	stream.indirect_vreg.gather [hbm4b:s3+s13], $0x1, v1, vm0, $0x4038;
	[tilespmem:$0x1AD00] =	vst v63  }
0x13: {  	s24 =	sand.u32 $0x78, s16;
	s19 =	sand.u32 $0xFFFFFC00, s19  }
0x14: {  	_ =	swait.ge [sflag:s4], $0xD000;
	s16 =	sor.u32 s24, s19  }
0x15: {  	[sflag:s4] =	ssyncset.done $0x0;
	s16 =	sshrl.u32 s16, $0x3  }
0x16: {  	[sflag:s4] =	ssyncadd.s32 $0xFFFF3000;
	s25 =	sadd.s32 s7, s16  }
0x17: {  	[hbm:s25] =	stream.linear.scatter [tilespmem:s18], [sflag:$0x3], $0x3400, $0x38;
	[tilespmem:$0x1AD00] =	vst v63  }
0x18: {  	s26 =	sadd.s32 $0x4100, s17;
	s28 =	sadd.s32 s16, s9  }
0x19: {  	[hbm:s28] =	stream.linear.scatter [tilespmem:s26], [sflag:$0x3], $0x3400, $0x38;
	[tilespmem:$0x1AD00] =	vst v63  }
0x1a: {  	s29 =	sadd.s32 $0x7500, s17;
	s30 =	sadd.s32 s16, s10  }
0x1b: {  	[hbm:s30] =	stream.linear.scatter [tilespmem:s29], [sflag:$0x3], $0x3400, $0x38;
	[tilespmem:$0x1AD00] =	vst v63  }
0x1c: {  	s31 =	sadd.s32 $0xA900, s17;
	s16 =	sadd.s32 s16, s11  }
0x1d: {  	[hbm:s16] =	stream.linear.scatter [tilespmem:s31], [sflag:$0x3], $0x3400, $0x38;
	[tilespmem:$0x1AD00] =	vst v63  }
.LBB2_5:
0x1e: {  	s18 =	sadd.s32 $0xD000, s14  }
0x1f: {  	p2 =	sgt.s32 s18, $0x19FFF  }
0x20: {  	s18 =	smov.u32 @p2 s2;
	p2 =	sne.s32 s15, s12  }
.Ltmp1:
0x21: {  	p1 =	slt.u32 s15, $0x2;
	(pc) =	sbr.rel @!p2 .LBB2_6-.Ltmp1, $4  }
0x22: {  	s17 =	simm.s32 @!p1 $0x3  }
0x23: {  	s19 =	sadd.s32 $0x1, s15;
	_ =	swait.ge @!p1 [sflag:s17], $0xD000  }
0x24: {  	s16 =	smov.u32 s14;
	p0 =	por !p0, !p0;
	[sflag:s17] =	ssyncset.done @!p1 $0x0  }
0x25: {  	s15 =	smov.u32 s19;
	s14 =	smov.u32 s18;
	[sflag:s17] =	ssyncadd.s32 @!p1 $0xFFFF3000  }
.LBB2_1:
0x26: {  	p1 =	sge.u32 s15, s8  }
0x27: {  	s17 =	sxor.u32 @!p1 $0xFFFFFFFF, s15  }
0x28: {  	s17 =	sand.u32 @!p1 $0x1, s17  }
0x29: {  	s17 =	smul.u32 @!p1 $0x1A00, s17  }
0x2a: {  	s31 =	sadd.s32 $0xFFFFFFFF, s15;
	s18 =	sshrl.u32 @!p1 s14, $0x3  }
0x2b: {  	s19 =	sand.u32 @!p1 $0x7, s14;
	s18 =	sadd.s32 @!p1 s6, s18;
	s17 =	sshrl.u32 @!p1 s17, $0x2  }
0x2c: {  	[tilespmem:s17], [sflag:$0x2] =	stream.linear.gather @!p1 [hbm4b:s18+s19], $0x680, $0x38;
	[tilespmem:$0x1AD00] =	vst v63  }
0x2d: {  	p1 =	sge.u32 s31, s8  }
.Ltmp2:
0x2e: {  	_ = 	snop;
	(pc) =	sbr.rel @p1 .LBB2_5-.Ltmp2, $1  }
0x2f: {  	_ =	sdelay $0x3  }
0x30: {  	s17 =	simm.s32 $0x1  }
0x31: {  	s17 =	simm.s32 @!p0 $0x0  }
0x32: {  	_ =	swait.ge [sflag:s5], $0x680;
	s17 =	smul.u32 $0x1A00, s17  }
0x33: {  	[sflag:s5] =	ssyncset.done $0x0  }
0x34: {  	[sflag:s5] =	ssyncadd.s32 $0xFFFFF980;
	s21 =	sshrl.u32 s17, $0x2  }
0x35: {  	v1 =	vld.msk [tilespmem:s21+$0x0 ss:$0x1], $0xffff;
	_ =	sdelay $0x2  }
0x36: {  	s22 =	ssub.s32 $0x1A000, s16  }
0x37: {  	p1 =	slt.s32 s22, $0x680  }
0x38: {  	s22 =	simm.s32 @!p1 $0x680;
	vm1 =	vgt.s32 v1, $0x0  }
0x39: {  	p1 =	sgt.s32 s22, $0x0;
	s17 =	smov.u32 s22;
	v1 =	vnsel vm1, $0x0, v1  }
0x3a: {  	s17 =	simm.s32 @!p1 $0x0;
	v1 =	vmin.u32 v1, $0x27AC3F  }
0x3b: {  	s17 =	smin.u32 s17, $0x10;
	v2 =	vshll.u32 v1, $0x3  }
0x3c: {  	s18 =	sand.u32 $0x1, s15;
	v3 =	vmov s17;
	v1 =	vand.u32 $0x7F, v1;
	v2 =	vand.u32 $0x1FFFC00, v2  }
0x3d: {  	s23 =	smul.u32 $0x34000, s18;
	vm1 =	vgt.u32 v3, v0;
	v1 =	vor.u32 v1, v2  }
0x3e: {  	v2 =	vnsel vm1, $0x7FFFFFFF, v1  }
0x3f: {  	s20 =	simm.s32 $0x0;
	s17 =	sshrl.u32 s23, $0x2  }
0x40: {  	s19 =	simm.s32 $0x0;
	s20 =	sand.u32 $0x3C00, s20;
	s18 =	sor.u32 $0xD00, s17;
	v3 =	vor.u32 $0x80, v1  }
0x41: {  	(ifvalue) =	ssetifvalue $0x7FFFFFFF;
	s23 =	sand.u32 $0x70, s19;
	s20 =	sadd.s32 s20, s18;
	v3 =	vnsel vm1, $0x7FFFFFFF, v3  }
0x42: {  	(ifvalue) =	ssetifvalue $0x7FFFFFFF;
	s23 =	sadd.s32 s23, s20  }
0x43: {  	v4 =	vor.u32 $0x100, v1;
	[tilespmem:s23], [sflag:$0x1] =	stream.indirect_vreg.gather [hbm4b:s3+s13], $0x1, v2, vm0, $0x4038;
	[tilespmem:$0x1AD00] =	vst v63  }
0x44: {  	v2 =	vnsel vm1, $0x7FFFFFFF, v4;
	(ifvalue) =	ssetifvalue $0x7FFFFFFF  }
0x45: {  	s20 =	sadd.s32 $0x80, s23;
	(ifvalue) =	ssetifvalue $0x7FFFFFFF  }
0x46: {  	v36 =	vor.u32 $0x180, v1;
	[tilespmem:s20], [sflag:$0x1] =	stream.indirect_vreg.gather [hbm4b:s3+s13], $0x1, v3, vm0, $0x4038;
	[tilespmem:$0x1AD00] =	vst v63  }
0x47: {  	v3 =	vnsel vm1, $0x7FFFFFFF, v36;
	(ifvalue) =	ssetifvalue $0x7FFFFFFF  }
0x48: {  	s24 =	sadd.s32 $0x100, s23;
	(ifvalue) =	ssetifvalue $0x7FFFFFFF  }
0x49: {  	v37 =	vor.u32 $0x200, v1;
	[tilespmem:s24], [sflag:$0x1] =	stream.indirect_vreg.gather [hbm4b:s3+s13], $0x1, v2, vm0, $0x4038;
	[tilespmem:$0x1AD00] =	vst v63  }
0x4a: {  	v2 =	vnsel vm1, $0x7FFFFFFF, v37;
	(ifvalue) =	ssetifvalue $0x7FFFFFFF  }
0x4b: {  	s25 =	sadd.s32 $0x180, s23;
	(ifvalue) =	ssetifvalue $0x7FFFFFFF  }
0x4c: {  	v38 =	vor.u32 $0x280, v1;
	[tilespmem:s25], [sflag:$0x1] =	stream.indirect_vreg.gather [hbm4b:s3+s13], $0x1, v3, vm0, $0x4038;
	[tilespmem:$0x1AD00] =	vst v63  }
0x4d: {  	v3 =	vnsel vm1, $0x7FFFFFFF, v38;
	(ifvalue) =	ssetifvalue $0x7FFFFFFF  }
0x4e: {  	s26 =	sadd.s32 $0x200, s23;
	(ifvalue) =	ssetifvalue $0x7FFFFFFF  }
0x4f: {  	v39 =	vor.u32 $0x300, v1;
	[tilespmem:s26], [sflag:$0x1] =	stream.indirect_vreg.gather [hbm4b:s3+s13], $0x1, v2, vm0, $0x4038;
	[tilespmem:$0x1AD00] =	vst v63  }
0x50: {  	v2 =	vnsel vm1, $0x7FFFFFFF, v39;
	(ifvalue) =	ssetifvalue $0x7FFFFFFF  }
0x51: {  	s28 =	sand.u32 $0x7, s19;
	s24 =	sadd.s32 $0x280, s23;
	(ifvalue) =	ssetifvalue $0x7FFFFFFF  }
0x52: {  	v40 =	vor.u32 $0x380, v1;
	[tilespmem:s24], [sflag:$0x1] =	stream.indirect_vreg.gather [hbm4b:s3+s13], $0x1, v3, vm0, $0x4038;
	[tilespmem:$0x1AD00] =	vst v63  }
0x53: {  	s20 =	sshll.u32 s28, $0x4;
	v3 =	vnsel vm1, $0x7FFFFFFF, v40;
	(ifvalue) =	ssetifvalue $0x7FFFFFFF  }
0x54: {  	s29 =	sadd.s32 $0x300, s23;
	s20 =	sadd.s32 $0x0, s20;
	(ifvalue) =	ssetifvalue $0x7FFFFFFF  }
0x55: {  	v41 =	vadd.s32 $0x13D6400, v1;
	[tilespmem:s29], [sflag:$0x1] =	stream.indirect_vreg.gather [hbm4b:s3+s13], $0x1, v2, vm0, $0x4038;
	[tilespmem:$0x1AD00] =	vst v63  }
0x56: {  	s20 =	sor.u32 $0x380, s20;
	v2 =	vnsel vm1, $0x7FFFFFFF, v41;
	(ifvalue) =	ssetifvalue $0x7FFFFFFF  }
0x57: {  	s20 =	sadd.s32 s20, s18;
	(ifvalue) =	ssetifvalue $0x7FFFFFFF  }
0x58: {  	v42 =	vadd.s32 $0x13D6480, v1;
	[tilespmem:s20], [sflag:$0x1] =	stream.indirect_vreg.gather [hbm4b:s3+s13], $0x1, v3, vm0, $0x4038;
	[tilespmem:$0x1AD00] =	vst v63  }
0x59: {  	v3 =	vnsel vm1, $0x7FFFFFFF, v42;
	(ifvalue) =	ssetifvalue $0x7FFFFFFF  }
0x5a: {  	s30 =	sadd.s32 $0x3400, s23;
	(ifvalue) =	ssetifvalue $0x7FFFFFFF  }
0x5b: {  	v43 =	vadd.s32 $0x13D6500, v1;
	[tilespmem:s30], [sflag:$0x1] =	stream.indirect_vreg.gather [hbm4b:s3+s13], $0x1, v2, vm0, $0x4038;
	[tilespmem:$0x1AD00] =	vst v63  }
0x5c: {  	v2 =	vnsel vm1, $0x7FFFFFFF, v43;
	(ifvalue) =	ssetifvalue $0x7FFFFFFF  }
0x5d: {  	s31 =	sadd.s32 $0x3480, s23;
	(ifvalue) =	ssetifvalue $0x7FFFFFFF  }
0x5e: {  	v44 =	vadd.s32 $0x13D6580, v1;
	[tilespmem:s31], [sflag:$0x1] =	stream.indirect_vreg.gather [hbm4b:s3+s13], $0x1, v3, vm0, $0x4038;
	[tilespmem:$0x1AD00] =	vst v63  }
0x5f: {  	v3 =	vnsel vm1, $0x7FFFFFFF, v44;
	(ifvalue) =	ssetifvalue $0x7FFFFFFF  }
0x60: {  	s24 =	sadd.s32 $0x3500, s23;
	(ifvalue) =	ssetifvalue $0x7FFFFFFF  }
0x61: {  	v45 =	vadd.s32 $0x13D6600, v1;
	[tilespmem:s24], [sflag:$0x1] =	stream.indirect_vreg.gather [hbm4b:s3+s13], $0x1, v2, vm0, $0x4038;
	[tilespmem:$0x1AD00] =	vst v63  }
0x62: {  	v2 =	vnsel vm1, $0x7FFFFFFF, v45;
	(ifvalue) =	ssetifvalue $0x7FFFFFFF  }
0x63: {  	s25 =	sadd.s32 $0x3580, s23;
	(ifvalue) =	ssetifvalue $0x7FFFFFFF  }
0x64: {  	v46 =	vadd.s32 $0x13D6680, v1;
	[tilespmem:s25], [sflag:$0x1] =	stream.indirect_vreg.gather [hbm4b:s3+s13], $0x1, v3, vm0, $0x4038;
	[tilespmem:$0x1AD00] =	vst v63  }
0x65: {  	v3 =	vnsel vm1, $0x7FFFFFFF, v46;
	(ifvalue) =	ssetifvalue $0x7FFFFFFF  }
0x66: {  	s26 =	sadd.s32 $0x3600, s23;
	(ifvalue) =	ssetifvalue $0x7FFFFFFF  }
0x67: {  	v47 =	vadd.s32 $0x13D6700, v1;
	[tilespmem:s26], [sflag:$0x1] =	stream.indirect_vreg.gather [hbm4b:s3+s13], $0x1, v2, vm0, $0x4038;
	[tilespmem:$0x1AD00] =	vst v63  }
0x68: {  	v2 =	vnsel vm1, $0x7FFFFFFF, v47;
	(ifvalue) =	ssetifvalue $0x7FFFFFFF  }
0x69: {  	s28 =	sadd.s32 $0x3680, s23;
	(ifvalue) =	ssetifvalue $0x7FFFFFFF  }
0x6a: {  	v48 =	vadd.s32 $0x13D6780, v1;
	[tilespmem:s28], [sflag:$0x1] =	stream.indirect_vreg.gather [hbm4b:s3+s13], $0x1, v3, vm0, $0x4038;
	[tilespmem:$0x1AD00] =	vst v63  }
0x6b: {  	v3 =	vnsel vm1, $0x7FFFFFFF, v48;
	(ifvalue) =	ssetifvalue $0x7FFFFFFF  }
0x6c: {  	s29 =	sadd.s32 $0x3700, s23;
	(ifvalue) =	ssetifvalue $0x7FFFFFFF  }
0x6d: {  	v49 =	vadd.s32 $0x27AC800, v1;
	[tilespmem:s29], [sflag:$0x1] =	stream.indirect_vreg.gather [hbm4b:s3+s13], $0x1, v2, vm0, $0x4038;
	[tilespmem:$0x1AD00] =	vst v63  }
0x6e: {  	v2 =	vnsel vm1, $0x7FFFFFFF, v49;
	(ifvalue) =	ssetifvalue $0x7FFFFFFF  }
0x6f: {  	s30 =	sadd.s32 $0x3780, s23;
	(ifvalue) =	ssetifvalue $0x7FFFFFFF  }
0x70: {  	v50 =	vadd.s32 $0x27AC880, v1;
	[tilespmem:s30], [sflag:$0x1] =	stream.indirect_vreg.gather [hbm4b:s3+s13], $0x1, v3, vm0, $0x4038;
	[tilespmem:$0x1AD00] =	vst v63  }
0x71: {  	v3 =	vnsel vm1, $0x7FFFFFFF, v50;
	(ifvalue) =	ssetifvalue $0x7FFFFFFF  }
0x72: {  	s31 =	sadd.s32 $0x6800, s23;
	(ifvalue) =	ssetifvalue $0x7FFFFFFF  }
0x73: {  	v51 =	vadd.s32 $0x27AC900, v1;
	[tilespmem:s31], [sflag:$0x1] =	stream.indirect_vreg.gather [hbm4b:s3+s13], $0x1, v2, vm0, $0x4038;
	[tilespmem:$0x1AD00] =	vst v63  }
0x74: {  	v2 =	vnsel vm1, $0x7FFFFFFF, v51;
	(ifvalue) =	ssetifvalue $0x7FFFFFFF  }
0x75: {  	s24 =	sadd.s32 $0x6880, s23;
	(ifvalue) =	ssetifvalue $0x7FFFFFFF  }
0x76: {  	v52 =	vadd.s32 $0x27AC980, v1;
	[tilespmem:s24], [sflag:$0x1] =	stream.indirect_vreg.gather [hbm4b:s3+s13], $0x1, v3, vm0, $0x4038;
	[tilespmem:$0x1AD00] =	vst v63  }
0x77: {  	v3 =	vnsel vm1, $0x7FFFFFFF, v52;
	(ifvalue) =	ssetifvalue $0x7FFFFFFF  }
0x78: {  	s25 =	sadd.s32 $0x6900, s23;
	(ifvalue) =	ssetifvalue $0x7FFFFFFF  }
0x79: {  	v53 =	vadd.s32 $0x27ACA00, v1;
	[tilespmem:s25], [sflag:$0x1] =	stream.indirect_vreg.gather [hbm4b:s3+s13], $0x1, v2, vm0, $0x4038;
	[tilespmem:$0x1AD00] =	vst v63  }
0x7a: {  	v2 =	vnsel vm1, $0x7FFFFFFF, v53;
	(ifvalue) =	ssetifvalue $0x7FFFFFFF  }
0x7b: {  	s26 =	sadd.s32 $0x6980, s23;
	(ifvalue) =	ssetifvalue $0x7FFFFFFF  }
0x7c: {  	v54 =	vadd.s32 $0x27ACA80, v1;
	[tilespmem:s26], [sflag:$0x1] =	stream.indirect_vreg.gather [hbm4b:s3+s13], $0x1, v3, vm0, $0x4038;
	[tilespmem:$0x1AD00] =	vst v63  }
0x7d: {  	v3 =	vnsel vm1, $0x7FFFFFFF, v54;
	(ifvalue) =	ssetifvalue $0x7FFFFFFF  }
0x7e: {  	s28 =	sadd.s32 $0x6A00, s23;
	(ifvalue) =	ssetifvalue $0x7FFFFFFF  }
0x7f: {  	v55 =	vadd.s32 $0x27ACB00, v1;
	[tilespmem:s28], [sflag:$0x1] =	stream.indirect_vreg.gather [hbm4b:s3+s13], $0x1, v2, vm0, $0x4038;
	[tilespmem:$0x1AD00] =	vst v63  }
0x80: {  	v2 =	vnsel vm1, $0x7FFFFFFF, v55;
	(ifvalue) =	ssetifvalue $0x7FFFFFFF  }
0x81: {  	s29 =	sadd.s32 $0x6A80, s23;
	(ifvalue) =	ssetifvalue $0x7FFFFFFF  }
0x82: {  	v56 =	vadd.s32 $0x27ACB80, v1;
	[tilespmem:s29], [sflag:$0x1] =	stream.indirect_vreg.gather [hbm4b:s3+s13], $0x1, v3, vm0, $0x4038;
	[tilespmem:$0x1AD00] =	vst v63  }
0x83: {  	v3 =	vnsel vm1, $0x7FFFFFFF, v56;
	(ifvalue) =	ssetifvalue $0x7FFFFFFF  }
0x84: {  	s30 =	sadd.s32 $0x6B00, s23;
	(ifvalue) =	ssetifvalue $0x7FFFFFFF  }
0x85: {  	v57 =	vadd.s32 $0x3B82C00, v1;
	[tilespmem:s30], [sflag:$0x1] =	stream.indirect_vreg.gather [hbm4b:s3+s13], $0x1, v2, vm0, $0x4038;
	[tilespmem:$0x1AD00] =	vst v63  }
0x86: {  	v2 =	vnsel vm1, $0x7FFFFFFF, v57;
	(ifvalue) =	ssetifvalue $0x7FFFFFFF  }
0x87: {  	s31 =	sadd.s32 $0x6B80, s23;
	(ifvalue) =	ssetifvalue $0x7FFFFFFF  }
0x88: {  	v58 =	vadd.s32 $0x3B82C80, v1;
	[tilespmem:s31], [sflag:$0x1] =	stream.indirect_vreg.gather [hbm4b:s3+s13], $0x1, v3, vm0, $0x4038;
	[tilespmem:$0x1AD00] =	vst v63  }
0x89: {  	v3 =	vnsel vm1, $0x7FFFFFFF, v58;
	(ifvalue) =	ssetifvalue $0x7FFFFFFF  }
0x8a: {  	s24 =	sadd.s32 $0x9C00, s23;
	(ifvalue) =	ssetifvalue $0x7FFFFFFF  }
0x8b: {  	v59 =	vadd.s32 $0x3B82D00, v1;
	[tilespmem:s24], [sflag:$0x1] =	stream.indirect_vreg.gather [hbm4b:s3+s13], $0x1, v2, vm0, $0x4038;
	[tilespmem:$0x1AD00] =	vst v63  }
0x8c: {  	v2 =	vnsel vm1, $0x7FFFFFFF, v59;
	(ifvalue) =	ssetifvalue $0x7FFFFFFF  }
0x8d: {  	s25 =	sadd.s32 $0x9C80, s23;
	(ifvalue) =	ssetifvalue $0x7FFFFFFF  }
0x8e: {  	v60 =	vadd.s32 $0x3B82D80, v1;
	[tilespmem:s25], [sflag:$0x1] =	stream.indirect_vreg.gather [hbm4b:s3+s13], $0x1, v3, vm0, $0x4038;
	[tilespmem:$0x1AD00] =	vst v63  }
0x8f: {  	v3 =	vnsel vm1, $0x7FFFFFFF, v60;
	(ifvalue) =	ssetifvalue $0x7FFFFFFF  }
0x90: {  	s26 =	sadd.s32 $0x9D00, s23;
	(ifvalue) =	ssetifvalue $0x7FFFFFFF  }
0x91: {  	v61 =	vadd.s32 $0x3B82E00, v1;
	[tilespmem:s26], [sflag:$0x1] =	stream.indirect_vreg.gather [hbm4b:s3+s13], $0x1, v2, vm0, $0x4038;
	[tilespmem:$0x1AD00] =	vst v63  }
0x92: {  	v2 =	vnsel vm1, $0x7FFFFFFF, v61;
	(ifvalue) =	ssetifvalue $0x7FFFFFFF  }
0x93: {  	s28 =	sadd.s32 $0x9D80, s23;
	(ifvalue) =	ssetifvalue $0x7FFFFFFF  }
0x94: {  	v62 =	vadd.s32 $0x3B82E80, v1;
	[tilespmem:s28], [sflag:$0x1] =	stream.indirect_vreg.gather [hbm4b:s3+s13], $0x1, v3, vm0, $0x4038;
	[tilespmem:$0x1AD00] =	vst v63  }
0x95: {  	v3 =	vnsel vm1, $0x7FFFFFFF, v62;
	(ifvalue) =	ssetifvalue $0x7FFFFFFF  }
0x96: {  	s29 =	sadd.s32 $0x9E00, s23;
	(ifvalue) =	ssetifvalue $0x7FFFFFFF  }
0x97: {  	v63 =	vadd.s32 $0x3B82F00, v1;
	[tilespmem:s29], [sflag:$0x1] =	stream.indirect_vreg.gather [hbm4b:s3+s13], $0x1, v2, vm0, $0x4038;
	[tilespmem:$0x1AD00] =	vst v63  }
0x98: {  	s22 =	sadd.s32 $0xFFFFFFF0, s22;
	s21 =	sadd.s32 $0x10, s21;
	v2 =	vnsel vm1, $0x7FFFFFFF, v63;
	(ifvalue) =	ssetifvalue $0x7FFFFFFF  }
0x99: {  	s20 =	simm.s32 $0x10;
	s30 =	sadd.s32 $0x9E80, s23;
	(ifvalue) =	ssetifvalue $0x7FFFFFFF  }
0x9a: {  	[tilespmem:s30], [sflag:$0x1] =	stream.indirect_vreg.gather [hbm4b:s3+s13], $0x1, v3, vm0, $0x4038;
	[tilespmem:$0x1AD00] =	vst v63  }
0x9b: {  	v1 =	vadd.s32 $0x3B82F80, v1;
	s31 =	sadd.s32 $0x9F00, s23;
	s24 =	simm.s32 $0x0;
	(ifvalue) =	ssetifvalue $0x7FFFFFFF  }
0x9c: {  	v1 =	vnsel vm1, $0x7FFFFFFF, v1;
	s25 =	sadd.s32 $0x9F80, s23;
	s23 =	simm.s32 $0xFFFFCC80;
	(ifvalue) =	ssetifvalue $0x7FFFFFFF  }
0x9d: {  	[tilespmem:s31], [sflag:$0x1] =	stream.indirect_vreg.gather [hbm4b:s3+s13], $0x1, v2, vm0, $0x4038;
	[tilespmem:$0x1AD00] =	vst v63  }
.LBB2_3:
0x9e: {  	(ifvalue) =	ssetifvalue $0x7FFFFFFF  }
0x9f: {  	s19 =	sadd.s32 $0x80, s19;
	s24 =	sadd.s32 $0x1, s24;
	s26 =	smov.u32 s20  }
0xa0: {  	p1 =	sne.s32 s20, $0x670;
	s20 =	sadd.s32 $0x10, s20;
	(ifvalue) =	ssetifvalue $0x7FFFFFFF  }
0xa1: {  	[tilespmem:s25], [sflag:$0x1] =	stream.indirect_vreg.gather [hbm4b:s3+s13], $0x1, v1, vm0, $0x4038;
	[tilespmem:$0x1AD00] =	vst v63  }
0xa2: {  	v1 =	vld.msk [tilespmem:s21+$0x0 ss:$0x1], $0xffff;
	_ =	sdelay $0x4  }
0xa3: {  	p2 =	sgt.s32 s22, $0x0;
	s25 =	smov.u32 s22  }
0xa4: {  	s25 =	simm.s32 @!p2 $0x0;
	vm1 =	vgt.s32 v1, $0x0  }
0xa5: {  	s25 =	smin.u32 s25, $0x10;
	v1 =	vnsel vm1, $0x0, v1  }
0xa6: {  	v2 =	vmov s25;
	v1 =	vmin.u32 v1, $0x27AC3F  }
0xa7: {  	vm1 =	vgt.u32 v2, v0;
	v3 =	vshll.u32 v1, $0x3  }
0xa8: {  	v1 =	vand.u32 $0x7F, v1;
	v2 =	vand.u32 $0x1FFFC00, v3  }
0xa9: {  	s25 =	sadd.s32 $0x3400, s23;
	v1 =	vor.u32 v1, v2  }
0xaa: {  	s25 =	sand.u32 $0x3C00, s25;
	v2 =	vnsel vm1, $0x7FFFFFFF, v1;
	v3 =	vor.u32 $0x80, v1;
	v4 =	vor.u32 $0x100, v1  }
0xab: {  	s26 =	sand.u32 $0x70, s26;
	s25 =	sadd.s32 s25, s18;
	v5 =	vor.u32 $0x180, v1;
	v3 =	vnsel vm1, $0x7FFFFFFF, v3;
	v4 =	vnsel vm1, $0x7FFFFFFF, v4;
	(ifvalue) =	ssetifvalue $0x7FFFFFFF  }
0xac: {  	s25 =	sadd.s32 s26, s25;
	v6 =	vor.u32 $0x200, v1;
	v7 =	vor.u32 $0x280, v1;
	v5 =	vnsel vm1, $0x7FFFFFFF, v5;
	(ifvalue) =	ssetifvalue $0x7FFFFFFF  }
0xad: {  	v6 =	vnsel vm1, $0x7FFFFFFF, v6;
	v8 =	vnsel vm1, $0x7FFFFFFF, v7;
	v7 =	vor.u32 $0x300, v1  }
0xae: {  	v9 =	vadd.s32 $0x13D6400, v1;
	v17 =	vnsel vm1, $0x7FFFFFFF, v7;
	v7 =	vor.u32 $0x380, v1  }
0xaf: {  	v19 =	vnsel vm1, $0x7FFFFFFF, v9;
	v18 =	vnsel vm1, $0x7FFFFFFF, v7;
	[tilespmem:s25], [sflag:$0x1] =	stream.indirect_vreg.gather [hbm4b:s3+s13], $0x1, v2, vm0, $0x4038;
	v2 =	vadd.s32 $0x13D6480, v1;
	[tilespmem:$0x1AD00] =	vst v63  }
0xb0: {  	(ifvalue) =	ssetifvalue $0x7FFFFFFF;
	v20 =	vnsel vm1, $0x7FFFFFFF, v2;
	v2 =	vadd.s32 $0x13D6500, v1  }
0xb1: {  	s26 =	sadd.s32 $0x80, s25;
	(ifvalue) =	ssetifvalue $0x7FFFFFFF;
	v21 =	vnsel vm1, $0x7FFFFFFF, v2;
	v2 =	vadd.s32 $0x13D6580, v1  }
0xb2: {  	[tilespmem:s26], [sflag:$0x1] =	stream.indirect_vreg.gather [hbm4b:s3+s13], $0x1, v3, vm0, $0x4038;
	v22 =	vnsel vm1, $0x7FFFFFFF, v2;
	v2 =	vadd.s32 $0x13D6600, v1;
	[tilespmem:$0x1AD00] =	vst v63  }
0xb3: {  	v3 =	vadd.s32 $0x13D6680, v1;
	v23 =	vnsel vm1, $0x7FFFFFFF, v2;
	v2 =	vadd.s32 $0x13D6700, v1  }
0xb4: {  	(ifvalue) =	ssetifvalue $0x7FFFFFFF;
	v24 =	vnsel vm1, $0x7FFFFFFF, v3;
	v3 =	vadd.s32 $0x27AC880, v1;
	v25 =	vnsel vm1, $0x7FFFFFFF, v2  }
0xb5: {  	s26 =	sadd.s32 $0x100, s25;
	(ifvalue) =	ssetifvalue $0x7FFFFFFF;
	v2 =	vadd.s32 $0x13D6780, v1;
	v15 =	vnsel vm1, $0x7FFFFFFF, v3;
	v3 =	vadd.s32 $0x27ACA00, v1  }
0xb6: {  	[tilespmem:s26], [sflag:$0x1] =	stream.indirect_vreg.gather [hbm4b:s3+s13], $0x1, v4, vm0, $0x4038;
	v26 =	vnsel vm1, $0x7FFFFFFF, v2;
	v2 =	vadd.s32 $0x27AC800, v1;
	[tilespmem:$0x1AD00] =	vst v63  }
0xb7: {  	s26 =	sadd.s32 $0x180, s25;
	(ifvalue) =	ssetifvalue $0x7FFFFFFF;
	v16 =	vnsel vm1, $0x7FFFFFFF, v2;
	v2 =	vadd.s32 $0x27AC900, v1  }
0xb8: {  	v4 =	vadd.s32 $0x27ACA80, v1;
	(ifvalue) =	ssetifvalue $0x7FFFFFFF;
	v13 =	vnsel vm1, $0x7FFFFFFF, v2  }
0xb9: {  	v12 =	vnsel vm1, $0x7FFFFFFF, v3;
	v2 =	vadd.s32 $0x27AC980, v1;
	[tilespmem:s26], [sflag:$0x1] =	stream.indirect_vreg.gather [hbm4b:s3+s13], $0x1, v5, vm0, $0x4038;
	[tilespmem:$0x1AD00] =	vst v63  }
0xba: {  	v3 =	vadd.s32 $0x3B82C00, v1;
	v10 =	vnsel vm1, $0x7FFFFFFF, v4;
	v14 =	vnsel vm1, $0x7FFFFFFF, v2;
	(ifvalue) =	ssetifvalue $0x7FFFFFFF  }
0xbb: {  	s28 =	sadd.s32 $0x280, s25;
	s26 =	sadd.s32 $0x200, s25;
	v2 =	vadd.s32 $0x27ACB00, v1;
	(ifvalue) =	ssetifvalue $0x7FFFFFFF  }
0xbc: {  	v7 =	vnsel vm1, $0x7FFFFFFF, v3;
	v11 =	vnsel vm1, $0x7FFFFFFF, v2;
	v2 =	vadd.s32 $0x27ACB80, v1;
	[tilespmem:s26], [sflag:$0x1] =	stream.indirect_vreg.gather [hbm4b:s3+s13], $0x1, v6, vm0, $0x4038;
	[tilespmem:$0x1AD00] =	vst v63  }
0xbd: {  	v3 =	vadd.s32 $0x3B82D80, v1;
	v9 =	vnsel vm1, $0x7FFFFFFF, v2;
	v2 =	vadd.s32 $0x3B82C80, v1;
	(ifvalue) =	ssetifvalue $0x7FFFFFFF  }
0xbe: {  	v4 =	vadd.s32 $0x3B82E00, v1;
	s26 =	sand.u32 $0x7, s24;
	v6 =	vnsel vm1, $0x7FFFFFFF, v2;
	(ifvalue) =	ssetifvalue $0x7FFFFFFF  }
0xbf: {  	v5 =	vnsel vm1, $0x7FFFFFFF, v3;
	v2 =	vadd.s32 $0x3B82D00, v1;
	[tilespmem:s28], [sflag:$0x1] =	stream.indirect_vreg.gather [hbm4b:s3+s13], $0x1, v8, vm0, $0x4038;
	[tilespmem:$0x1AD00] =	vst v63  }
0xc0: {  	v3 =	vnsel vm1, $0x7FFFFFFF, v4;
	s26 =	sshll.u32 s26, $0x4;
	v8 =	vnsel vm1, $0x7FFFFFFF, v2;
	v2 =	vadd.s32 $0x3B82E80, v1;
	(ifvalue) =	ssetifvalue $0x7FFFFFFF  }
0xc1: {  	s26 =	sadd.s32 s26, s19;
	s28 =	sadd.s32 $0x300, s25;
	v4 =	vnsel vm1, $0x7FFFFFFF, v2;
	(ifvalue) =	ssetifvalue $0x7FFFFFFF  }
0xc2: {  	v2 =	vadd.s32 $0x3B82F00, v1;
	v1 =	vadd.s32 $0x3B82F80, v1;
	[tilespmem:s28], [sflag:$0x1] =	stream.indirect_vreg.gather [hbm4b:s3+s13], $0x1, v17, vm0, $0x4038;
	[tilespmem:$0x1AD00] =	vst v63  }
0xc3: {  	s26 =	sor.u32 $0x380, s26;
	v2 =	vnsel vm1, $0x7FFFFFFF, v2;
	v1 =	vnsel vm1, $0x7FFFFFFF, v1;
	(ifvalue) =	ssetifvalue $0x7FFFFFFF  }
0xc4: {  	s26 =	sadd.s32 s26, s18;
	(ifvalue) =	ssetifvalue $0x7FFFFFFF  }
0xc5: {  	[tilespmem:s26], [sflag:$0x1] =	stream.indirect_vreg.gather [hbm4b:s3+s13], $0x1, v18, vm0, $0x4038;
	[tilespmem:$0x1AD00] =	vst v63  }
0xc6: {  	(ifvalue) =	ssetifvalue $0x7FFFFFFF  }
0xc7: {  	s26 =	sadd.s32 $0x3400, s25;
	(ifvalue) =	ssetifvalue $0x7FFFFFFF  }
0xc8: {  	[tilespmem:s26], [sflag:$0x1] =	stream.indirect_vreg.gather [hbm4b:s3+s13], $0x1, v19, vm0, $0x4038;
	[tilespmem:$0x1AD00] =	vst v63  }
0xc9: {  	(ifvalue) =	ssetifvalue $0x7FFFFFFF  }
0xca: {  	s26 =	sadd.s32 $0x3480, s25;
	(ifvalue) =	ssetifvalue $0x7FFFFFFF  }
0xcb: {  	[tilespmem:s26], [sflag:$0x1] =	stream.indirect_vreg.gather [hbm4b:s3+s13], $0x1, v20, vm0, $0x4038;
	[tilespmem:$0x1AD00] =	vst v63  }
0xcc: {  	(ifvalue) =	ssetifvalue $0x7FFFFFFF  }
0xcd: {  	s28 =	sadd.s32 $0x3580, s25;
	s26 =	sadd.s32 $0x3500, s25;
	(ifvalue) =	ssetifvalue $0x7FFFFFFF  }
0xce: {  	[tilespmem:s26], [sflag:$0x1] =	stream.indirect_vreg.gather [hbm4b:s3+s13], $0x1, v21, vm0, $0x4038;
	[tilespmem:$0x1AD00] =	vst v63  }
0xcf: {  	(ifvalue) =	ssetifvalue $0x7FFFFFFF  }
0xd0: {  	s26 =	sadd.s32 $0x3600, s25;
	(ifvalue) =	ssetifvalue $0x7FFFFFFF  }
0xd1: {  	[tilespmem:s28], [sflag:$0x1] =	stream.indirect_vreg.gather [hbm4b:s3+s13], $0x1, v22, vm0, $0x4038;
	[tilespmem:$0x1AD00] =	vst v63  }
0xd2: {  	(ifvalue) =	ssetifvalue $0x7FFFFFFF  }
0xd3: {  	s28 =	sadd.s32 $0x3680, s25;
	(ifvalue) =	ssetifvalue $0x7FFFFFFF  }
0xd4: {  	[tilespmem:s26], [sflag:$0x1] =	stream.indirect_vreg.gather [hbm4b:s3+s13], $0x1, v23, vm0, $0x4038;
	[tilespmem:$0x1AD00] =	vst v63  }
0xd5: {  	(ifvalue) =	ssetifvalue $0x7FFFFFFF  }
0xd6: {  	s26 =	sadd.s32 $0x3700, s25;
	(ifvalue) =	ssetifvalue $0x7FFFFFFF  }
0xd7: {  	[tilespmem:s28], [sflag:$0x1] =	stream.indirect_vreg.gather [hbm4b:s3+s13], $0x1, v24, vm0, $0x4038;
	[tilespmem:$0x1AD00] =	vst v63  }
0xd8: {  	(ifvalue) =	ssetifvalue $0x7FFFFFFF  }
0xd9: {  	s28 =	sadd.s32 $0x3780, s25;
	(ifvalue) =	ssetifvalue $0x7FFFFFFF  }
0xda: {  	[tilespmem:s26], [sflag:$0x1] =	stream.indirect_vreg.gather [hbm4b:s3+s13], $0x1, v25, vm0, $0x4038;
	[tilespmem:$0x1AD00] =	vst v63  }
0xdb: {  	(ifvalue) =	ssetifvalue $0x7FFFFFFF  }
0xdc: {  	s26 =	sadd.s32 $0x6800, s25;
	(ifvalue) =	ssetifvalue $0x7FFFFFFF  }
0xdd: {  	[tilespmem:s28], [sflag:$0x1] =	stream.indirect_vreg.gather [hbm4b:s3+s13], $0x1, v26, vm0, $0x4038;
	[tilespmem:$0x1AD00] =	vst v63  }
0xde: {  	(ifvalue) =	ssetifvalue $0x7FFFFFFF  }
0xdf: {  	s28 =	sadd.s32 $0x6880, s25;
	(ifvalue) =	ssetifvalue $0x7FFFFFFF  }
0xe0: {  	[tilespmem:s26], [sflag:$0x1] =	stream.indirect_vreg.gather [hbm4b:s3+s13], $0x1, v16, vm0, $0x4038;
	[tilespmem:$0x1AD00] =	vst v63  }
0xe1: {  	(ifvalue) =	ssetifvalue $0x7FFFFFFF  }
0xe2: {  	s26 =	sadd.s32 $0x6900, s25;
	(ifvalue) =	ssetifvalue $0x7FFFFFFF  }
0xe3: {  	[tilespmem:s28], [sflag:$0x1] =	stream.indirect_vreg.gather [hbm4b:s3+s13], $0x1, v15, vm0, $0x4038;
	[tilespmem:$0x1AD00] =	vst v63  }
0xe4: {  	(ifvalue) =	ssetifvalue $0x7FFFFFFF  }
0xe5: {  	s28 =	sadd.s32 $0x6980, s25;
	(ifvalue) =	ssetifvalue $0x7FFFFFFF  }
0xe6: {  	[tilespmem:s26], [sflag:$0x1] =	stream.indirect_vreg.gather [hbm4b:s3+s13], $0x1, v13, vm0, $0x4038;
	[tilespmem:$0x1AD00] =	vst v63  }
0xe7: {  	(ifvalue) =	ssetifvalue $0x7FFFFFFF  }
0xe8: {  	s26 =	sadd.s32 $0x6A00, s25;
	(ifvalue) =	ssetifvalue $0x7FFFFFFF  }
0xe9: {  	[tilespmem:s28], [sflag:$0x1] =	stream.indirect_vreg.gather [hbm4b:s3+s13], $0x1, v14, vm0, $0x4038;
	[tilespmem:$0x1AD00] =	vst v63  }
0xea: {  	(ifvalue) =	ssetifvalue $0x7FFFFFFF  }
0xeb: {  	s28 =	sadd.s32 $0x6A80, s25;
	(ifvalue) =	ssetifvalue $0x7FFFFFFF  }
0xec: {  	[tilespmem:s26], [sflag:$0x1] =	stream.indirect_vreg.gather [hbm4b:s3+s13], $0x1, v12, vm0, $0x4038;
	[tilespmem:$0x1AD00] =	vst v63  }
0xed: {  	(ifvalue) =	ssetifvalue $0x7FFFFFFF  }
0xee: {  	s26 =	sadd.s32 $0x6B00, s25;
	(ifvalue) =	ssetifvalue $0x7FFFFFFF  }
0xef: {  	[tilespmem:s28], [sflag:$0x1] =	stream.indirect_vreg.gather [hbm4b:s3+s13], $0x1, v10, vm0, $0x4038;
	[tilespmem:$0x1AD00] =	vst v63  }
0xf0: {  	(ifvalue) =	ssetifvalue $0x7FFFFFFF  }
0xf1: {  	s28 =	sadd.s32 $0x6B80, s25;
	(ifvalue) =	ssetifvalue $0x7FFFFFFF  }
0xf2: {  	[tilespmem:s26], [sflag:$0x1] =	stream.indirect_vreg.gather [hbm4b:s3+s13], $0x1, v11, vm0, $0x4038;
	[tilespmem:$0x1AD00] =	vst v63  }
0xf3: {  	(ifvalue) =	ssetifvalue $0x7FFFFFFF  }
0xf4: {  	s26 =	sadd.s32 $0x9C00, s25;
	(ifvalue) =	ssetifvalue $0x7FFFFFFF  }
0xf5: {  	[tilespmem:s28], [sflag:$0x1] =	stream.indirect_vreg.gather [hbm4b:s3+s13], $0x1, v9, vm0, $0x4038;
	[tilespmem:$0x1AD00] =	vst v63  }
0xf6: {  	(ifvalue) =	ssetifvalue $0x7FFFFFFF  }
0xf7: {  	s28 =	sadd.s32 $0x9C80, s25;
	(ifvalue) =	ssetifvalue $0x7FFFFFFF  }
0xf8: {  	[tilespmem:s26], [sflag:$0x1] =	stream.indirect_vreg.gather [hbm4b:s3+s13], $0x1, v7, vm0, $0x4038;
	[tilespmem:$0x1AD00] =	vst v63  }
0xf9: {  	(ifvalue) =	ssetifvalue $0x7FFFFFFF  }
0xfa: {  	s26 =	sadd.s32 $0x9D00, s25;
	(ifvalue) =	ssetifvalue $0x7FFFFFFF  }
0xfb: {  	[tilespmem:s28], [sflag:$0x1] =	stream.indirect_vreg.gather [hbm4b:s3+s13], $0x1, v6, vm0, $0x4038;
	[tilespmem:$0x1AD00] =	vst v63  }
0xfc: {  	(ifvalue) =	ssetifvalue $0x7FFFFFFF  }
0xfd: {  	s28 =	sadd.s32 $0x9D80, s25;
	(ifvalue) =	ssetifvalue $0x7FFFFFFF  }
0xfe: {  	[tilespmem:s26], [sflag:$0x1] =	stream.indirect_vreg.gather [hbm4b:s3+s13], $0x1, v8, vm0, $0x4038;
	[tilespmem:$0x1AD00] =	vst v63  }
0xff: {  	(ifvalue) =	ssetifvalue $0x7FFFFFFF  }
0x100: {  	s26 =	sadd.s32 $0x9E00, s25;
	(ifvalue) =	ssetifvalue $0x7FFFFFFF  }
0x101: {  	[tilespmem:s28], [sflag:$0x1] =	stream.indirect_vreg.gather [hbm4b:s3+s13], $0x1, v5, vm0, $0x4038;
	[tilespmem:$0x1AD00] =	vst v63  }
0x102: {  	(ifvalue) =	ssetifvalue $0x7FFFFFFF  }
0x103: {  	s28 =	sadd.s32 $0x9E80, s25;
	(ifvalue) =	ssetifvalue $0x7FFFFFFF  }
0x104: {  	[tilespmem:s26], [sflag:$0x1] =	stream.indirect_vreg.gather [hbm4b:s3+s13], $0x1, v3, vm0, $0x4038;
	[tilespmem:$0x1AD00] =	vst v63  }
0x105: {  	(ifvalue) =	ssetifvalue $0x7FFFFFFF  }
.Ltmp3:
0x106: {  	s26 =	sadd.s32 $0x9F00, s25;
	(ifvalue) =	ssetifvalue $0x7FFFFFFF;
	(pc) =	sbr.rel @p1 .LBB2_3-.Ltmp3, $4  }
0x107: {  	[tilespmem:s28], [sflag:$0x1] =	stream.indirect_vreg.gather [hbm4b:s3+s13], $0x1, v4, vm0, $0x4038;
	[tilespmem:$0x1AD00] =	vst v63  }
0x108: {  	s22 =	sadd.s32 $0xFFFFFFF0, s22;
	s21 =	sadd.s32 $0x10, s21;
	(ifvalue) =	ssetifvalue $0x7FFFFFFF  }
0x109: {  	s23 =	sadd.s32 $0x80, s23;
	s25 =	sadd.s32 $0x9F80, s25;
	(ifvalue) =	ssetifvalue $0x7FFFFFFF  }
0x10a: {  	[tilespmem:s26], [sflag:$0x1] =	stream.indirect_vreg.gather [hbm4b:s3+s13], $0x1, v2, vm0, $0x4038;
	[tilespmem:$0x1AD00] =	vst v63  }
.Ltmp4:
0x10b: {  	_ = 	snop;
	(pc) =	sbr.rel .LBB2_4-.Ltmp4, $1  }
0x10c: {  	_ =	sdelay $0x3  }
.LBB2_6:
0x10d: {  	_ =	sfence.sel $0x180000  }
0x10e: {  	s2 =	simm.s32 $0x2;
	[bflag:$0x0] =	sbarrier.arrive $0xFFFF  }
0x10f: {  	s30 =	simm.s32 $0x3;
	[sflag:s2] =	ssyncpa.u1 $0x1  }
0x110: {  	s31 =	simm.s32 $0x1;
	[sflag:s30] =	ssyncpa.u1 $0x1  }
0x111: {  	[sflag:s31] =	ssyncpa.u1 $0x1  }
0x112: {  	p0 =	sne.s32 s0, $0x0;
	_ =	strace $0x9000004A  }
0x113: {  	s0 =	sadd.s32 @!p0 $0x100000, s1;
	[bflag:$0x2] =	sbarrier.arrive $0xFFFF  }
0x114: {  	[sflag:s0] =	ssyncadd.tile.s32 @!p0 $0x1;
	_ =	shalt  }
.Lfunc_end2:
_tile_overlayer_lowered:
.L_overlay_start_2:
0x115: {  	(tag) =	ssettag $0x2  }
0x116: {  	s0 =	rddreg [dreg:$0x0];
	s2 =	stileid.u32  }
0x117: {  	s1 =	rddreg [dreg:$0x1];
	p0 =	sne.s32 s2, $0x0  }
0x118: {  	s3 =	rddreg [dreg:$0x2];
	[bflag:$0x3] =	sbarrier.arrive $0xFFFF;
	s2 =	simm.s32 @!p0 $0x1C01  }
0x119: {  	[timem:s3], [sflag:s2] =	dma.local @!p0 [hbm:s0], s1  }
0x11a: {  	s0 =	simm.s32 @!p0 $0x1  }
0x11b: {  	_ =	swait.ge @!p0 [sflag:s0], s1  }
0x11c: {  	s1 =	ssub.s32 @!p0 $0x0, s1;
	[sflag:s0] =	ssyncset.done @!p0 $0x0  }
0x11d: {  	[sflag:s0] =	ssyncadd.s32 @!p0 s1  }
0x11e: {  	[bflag:$0x3] =	sbarrier.arrive $0xFFFF  }
0x11f: {  	_ =	shalt  }

</sc_bundles>
